<compile_context>
chip_gen: v7x
topology: tpu7x:2x2x1
jax: 0.10.2.dev20260603
libtpu: 0.0.44.dev20260713+nightly
codegen_flags: <defaults>
</compile_context>

<pallas_src>
import functools

import jax
import jax.numpy as jnp
from jax import lax
from jax.experimental import pallas as pl
from jax.experimental.pallas import tpu as pltpu
from jax.experimental.pallas import tpu_sc as plsc

N = 10000
D = 128
G = 64

NC = 2
NS = 16
NT = NC * NS
CHUNK = 128

NPAD = 10240


def _sc_mesh():
    return plsc.VectorSubcoreMesh(
        core_axis_name="c", subcore_axis_name="s", num_cores=NC, num_subcores=NS
    )


def _make_deg_kernel(ec):
    @functools.partial(
        pl.kernel,
        out_type=jax.ShapeDtypeStruct((NC, NPAD, 16), jnp.float32),
        mesh=_sc_mesh(),
        scratch_types=[
            pltpu.VMEM((CHUNK,), jnp.int32),
            pltpu.VMEM((CHUNK, 16), jnp.float32),
            pltpu.VMEM_SHARED((NPAD, 16), jnp.float32),
            pltpu.SemaphoreType.DMA,
        ],
    )
    def deg_kernel(dst_hbm, zeros_hbm, out_hbm, dstv, ones_v, deg_sh, sem):
        c = lax.axis_index("c")
        s = lax.axis_index("s")
        wid = c * NS + s

        def fill(i, _):
            ones_v[i, :] = jnp.ones((16,), jnp.float32)
            return _

        lax.fori_loop(0, CHUNK, fill, None)

        @pl.when(s == 0)
        def _():
            pltpu.sync_copy(zeros_hbm, deg_sh)

        plsc.subcore_barrier()

        def step(j, _):
            pltpu.sync_copy(dst_hbm.at[wid, j], dstv)
            pltpu.sync_copy(ones_v, deg_sh.at[dstv], add=True)
            return _

        lax.fori_loop(0, ec, step, None)
        plsc.subcore_barrier()

        @pl.when(s == 0)
        def _():
            pltpu.sync_copy(deg_sh, out_hbm.at[c])

    return deg_kernel


def _make_msg_kernel(ec):
    @functools.partial(
        pl.kernel,
        out_type=jax.ShapeDtypeStruct((NC, NPAD, D), jnp.float32),
        mesh=_sc_mesh(),
        scratch_types=[
            pltpu.VMEM((CHUNK,), jnp.int32),
            pltpu.VMEM((CHUNK,), jnp.int32),
            pltpu.VMEM((CHUNK, D), jnp.float32),
            pltpu.VMEM_SHARED((NPAD, D), jnp.float32),
            pltpu.SemaphoreType.DMA,
        ],
    )
    def msg_kernel(src_hbm, dst_hbm, y_hbm, zeros_hbm, out_hbm, srcv, dstv,
                   rows, acc_sh, sem):
        c = lax.axis_index("c")
        s = lax.axis_index("s")
        wid = c * NS + s

        @pl.when(s == 0)
        def _():
            pltpu.sync_copy(zeros_hbm, acc_sh)

        plsc.subcore_barrier()

        def step(j, _):
            pltpu.sync_copy(src_hbm.at[wid, j], srcv)
            pltpu.sync_copy(dst_hbm.at[wid, j], dstv)
            pltpu.async_copy(y_hbm.at[srcv], rows, sem).wait()
            pltpu.sync_copy(rows, acc_sh.at[dstv], add=True)
            return _

        lax.fori_loop(0, ec, step, None)
        plsc.subcore_barrier()

        @pl.when(s == 0)
        def _():
            pltpu.sync_copy(acc_sh, out_hbm.at[c])

    return msg_kernel


def _scale_matmul_kernel(x_ref, w_ref, deg_ref, y_ref):
    xw = jnp.dot(x_ref[...], w_ref[...], preferred_element_type=jnp.float32)
    d = deg_ref[0] + deg_ref[1]
    dinv = lax.rsqrt(d[:, 0:1] + 1.0)
    y_ref[...] = xw * dinv


def _finish_kernel(nblk, br, p_ref, y_ref, deg_ref, b_ref, batch_ref, out_ref,
                   cnt_ref):
    i = pl.program_id(0)

    @pl.when(i == 0)
    def _():
        out_ref[...] = jnp.zeros((G, D), jnp.float32)
        cnt_ref[...] = jnp.zeros((G, D), jnp.float32)

    d = deg_ref[0] + deg_ref[1]
    dinv = lax.rsqrt(d[:, 0:1] + 1.0)
    z = (p_ref[0] + p_ref[1] + y_ref[...]) * dinv + b_ref[...]
    z = jnp.maximum(z, 0.0)
    oh = (batch_ref[...] == lax.broadcasted_iota(jnp.int32, (br, G), 1))
    oh = oh.astype(jnp.float32)
    out_ref[...] += lax.dot_general(
        oh, z, (((0,), (0,)), ((), ())), preferred_element_type=jnp.float32
    )
    cnt_ref[...] += lax.dot_general(
        oh, jnp.ones((br, D), jnp.float32), (((0,), (0,)), ((), ())),
        preferred_element_type=jnp.float32,
    )

    @pl.when(i == nblk - 1)
    def _():
        out_ref[...] = out_ref[...] / jnp.maximum(cnt_ref[...], 1.0)


def kernel(node_feat, edge_index, batch, W, b):
    n, d_in = node_feat.shape
    e = edge_index.shape[1]
    ept = pl.cdiv(pl.cdiv(e, NT), CHUNK) * CHUNK
    ec = ept // CHUNK

    pad_e = NT * ept - e
    src_t = jnp.concatenate(
        [edge_index[0], jnp.full((pad_e,), N, jnp.int32)]
    ).reshape(NT, ec, CHUNK)
    dst_t = jnp.concatenate(
        [edge_index[1], jnp.full((pad_e,), N, jnp.int32)]
    ).reshape(NT, ec, CHUNK)
    x_pad = jnp.concatenate(
        [node_feat, jnp.zeros((NPAD - n, d_in), jnp.float32)]
    )
    batch_col = jnp.concatenate(
        [batch, jnp.full((NPAD - n,), G, jnp.int32)]
    ).reshape(NPAD, 1)
    b_row = b.reshape(1, D)
    zeros16 = jnp.zeros((NPAD, 16), jnp.float32)
    zerosd = jnp.zeros((NPAD, D), jnp.float32)

    deg = _make_deg_kernel(ec)(dst_t, zeros16)

    nblk = 8
    br = NPAD // nblk
    y = pl.pallas_call(
        _scale_matmul_kernel,
        grid=(nblk,),
        in_specs=[
            pl.BlockSpec((br, D), lambda i: (i, 0)),
            pl.BlockSpec((d_in, D), lambda i: (0, 0)),
            pl.BlockSpec((NC, br, 16), lambda i: (0, i, 0)),
        ],
        out_specs=pl.BlockSpec((br, D), lambda i: (i, 0)),
        out_shape=jax.ShapeDtypeStruct((NPAD, D), jnp.float32),
    )(x_pad, W, deg)

    p = _make_msg_kernel(ec)(src_t, dst_t, y, zerosd)

    pooled = pl.pallas_call(
        functools.partial(_finish_kernel, nblk, br),
        grid=(nblk,),
        in_specs=[
            pl.BlockSpec((NC, br, D), lambda i: (0, i, 0)),
            pl.BlockSpec((br, D), lambda i: (i, 0)),
            pl.BlockSpec((NC, br, 16), lambda i: (0, i, 0)),
            pl.BlockSpec((1, D), lambda i: (0, 0)),
            pl.BlockSpec((br, 1), lambda i: (i, 0)),
        ],
        out_specs=pl.BlockSpec((G, D), lambda i: (0, 0)),
        out_shape=jax.ShapeDtypeStruct((G, D), jnp.float32),
        scratch_shapes=[pltpu.VMEM((G, D), jnp.float32)],
    )(p, y, deg, b_row, batch_col)

    return pooled

# --- scband reference (transcript-rebuilt; emitter-appended) ---
"""Pipeline reference for scband-molecular-gcn-19885698580985 (READ-ONLY COPY).

The authoritative reference and input builder live on the scoring server;
editing this copy changes nothing except your own understanding.
"""

import jax, jax.numpy as jnp
import numpy as np

N = 10000
E = 320000
D_IN = 128
D_OUT = 128
G = 64


def setup_inputs(seed: int = 0) -> dict:
    key = jax.random.key(seed)
    k1, k2, k3, k4 = jax.random.split(key, 4)
    node_feat = jax.random.normal(k1, (N, D_IN), dtype=jnp.float32)
    edge_index = jax.random.randint(k2, (2, E), 0, N, dtype=jnp.int32)
    batch = jnp.sort(jax.random.randint(k3, (N,), 0, G, dtype=jnp.int32))
    # GCNConv parameters (glorot-ish weight, zero bias as in PyG default init)
    W = jax.random.normal(k4, (D_IN, D_OUT), dtype=jnp.float32) * (1.0 / np.sqrt(D_IN))
    b = jnp.zeros((D_OUT,), dtype=jnp.float32)
    return {"node_feat": node_feat, "edge_index": edge_index, "batch": batch, "W": W, "b": b}


def reference(node_feat, edge_index, batch, W, b):
    # ---- GCNConv (normalize=True, add_self_loops=True, flow source->target) ----
    x = node_feat @ W
    loop = jnp.arange(N, dtype=edge_index.dtype)
    src = jnp.concatenate([edge_index[0], loop])
    dst = jnp.concatenate([edge_index[1], loop])
    # symmetric normalization: deg computed on destination (in-degree incl. self-loops)
    deg = jnp.zeros((N,), dtype=x.dtype).at[dst].add(1.0)
    deg_inv_sqrt = jnp.where(deg > 0, jax.lax.rsqrt(deg), 0.0)
    norm = deg_inv_sqrt[src] * deg_inv_sqrt[dst]
    msgs = x[src] * norm[:, None]
    out = jnp.zeros((N, D_OUT), dtype=x.dtype).at[dst].add(msgs) + b
    # ---- relu ----
    out = jax.nn.relu(out)
    # ---- global_mean_pool over batch vector ----
    sums = jax.ops.segment_sum(out, batch, num_segments=G)
    counts = jax.ops.segment_sum(jnp.ones((N,), dtype=out.dtype), batch, num_segments=G)
    gmp_x = sums / jnp.maximum(counts, 1.0)[:, None]
    return gmp_x

if __name__ == "__main__":
    import jax
    _d = setup_inputs()
    print(jax.jit(kernel)(*tuple(_d.values())))

</pallas_src>

<mosaic_0001>
#map = affine_map<(d0, d1) -> (0, 0, 0)>
#map1 = affine_map<(d0, d1) -> (0, 0)>
module attributes {stable_mosaic.version = 14 : i64} {
  func.func @msg_kernel(%arg0: i32, %arg1: i32, %arg2: memref<32x79x128xi32, #tpu.memory_space<hbm>>, %arg3: memref<32x79x128xi32, #tpu.memory_space<hbm>>, %arg4: memref<10240x128xf32, #tpu.memory_space<hbm>>, %arg5: memref<10240x128xf32, #tpu.memory_space<hbm>>, %arg6: memref<2x10240x128xf32, #tpu.memory_space<hbm>>, %arg7: memref<128xi32, #tpu.memory_space<vmem>>, %arg8: memref<128xi32, #tpu.memory_space<vmem>>, %arg9: memref<128x128xf32, #tpu.memory_space<vmem>>, %arg10: memref<10240x128xf32, #tpu.memory_space<vmem_shared>>, %arg11: memref<!tpu.dma_semaphore, #tpu.memory_space<semaphore_mem>>) attributes {dimension_semantics = [#tpu.dimension_semantics<core_parallel>, #tpu.dimension_semantics<subcore_parallel>], iteration_bounds = array<i64: 2, 16>, scalar_prefetch = 0 : i64, scratch_operands = 5 : i64, tpu.core_type = #tpu.core_type<sc_vector_subcore>, window_params = [{transform_indices = #map}, {transform_indices = #map}, {transform_indices = #map1}, {transform_indices = #map1}, {transform_indices = #map}]} {
    %mul3A = arith.constant 16 : i32
    %mul3A_0 = arith.muli %arg0, %mul3A : i32
    %add3A = arith.addi %mul3A_0, %arg1 : i32
    %eq3A = arith.constant 0 : i32
    %eq3A_1 = arith.cmpi eq, %arg1, %eq3A : i32
    %convert_element_type3A = arith.extui %eq3A_1 : i1 to i32
    %cond3A = arith.constant 0 : i32
    %cond3A_2 = arith.cmpi ne, %convert_element_type3A, %cond3A : i32
    scf.if %cond3A_2 {
      "tpu.region"() ({
        %run_scoped3A = tpu.sem_alloc : memref<!tpu.dma_semaphore, #tpu.memory_space<semaphore_mem>>
        tpu.enqueue_dma source(%arg5 : memref<10240x128xf32, #tpu.memory_space<hbm>>) target(%arg10 : memref<10240x128xf32, #tpu.memory_space<vmem_shared>>) target_semaphore(%run_scoped3A : memref<!tpu.dma_semaphore, #tpu.memory_space<semaphore_mem>>)
        tpu.wait_dma2 semaphore(%run_scoped3A : memref<!tpu.dma_semaphore, #tpu.memory_space<semaphore_mem>>) src(%arg5 : memref<10240x128xf32, #tpu.memory_space<hbm>>) dst(%arg10 : memref<10240x128xf32, #tpu.memory_space<vmem_shared>>)
        tpu.yield
      }) : () -> ()
    } else {
    }
    %barrier3A = arith.constant 0 : index
    tpu.barrier barrier_id(%barrier3A)
    %scan3A = arith.constant 0 : i32
    %scan3A_3 = arith.constant 79 : i32
    %scan3A_4 = arith.addi %scan3A, %scan3A_3 : i32
    %scan3A_5 = arith.constant 1 : i32
    scf.for %scan3A_13 = %scan3A to %scan3A_4 step %scan3A_5  : i32 {
      "tpu.region"() ({
        %run_scoped3A = tpu.sem_alloc : memref<!tpu.dma_semaphore, #tpu.memory_space<semaphore_mem>>
        %dma_start3A_18 = arith.constant 0 : i32
        %dma_start3A_19 = tpu.memref_slice %arg2[%add3A, %scan3A_13, %dma_start3A_18] : memref<32x79x128xi32, #tpu.memory_space<hbm>> -> memref<1x1x128xi32, #tpu.memory_space<hbm>>
        %dma_start3A_20 = tpu.memref_squeeze %dma_start3A_19 : memref<1x1x128xi32, #tpu.memory_space<hbm>> -> memref<128xi32, #tpu.memory_space<hbm>>
        %dma_start3A_21 = arith.constant 0 : i32
        %dma_start3A_22 = tpu.memref_slice %arg2[%add3A, %scan3A_13, %dma_start3A_21] : memref<32x79x128xi32, #tpu.memory_space<hbm>> -> memref<1x1x128xi32, #tpu.memory_space<hbm>>
        %dma_start3A_23 = tpu.memref_squeeze %dma_start3A_22 : memref<1x1x128xi32, #tpu.memory_space<hbm>> -> memref<128xi32, #tpu.memory_space<hbm>>
        tpu.enqueue_dma source(%dma_start3A_23 : memref<128xi32, #tpu.memory_space<hbm>>) target(%arg7 : memref<128xi32, #tpu.memory_space<vmem>>) target_semaphore(%run_scoped3A : memref<!tpu.dma_semaphore, #tpu.memory_space<semaphore_mem>>)
        %dma_wait3A_24 = arith.constant 0 : i32
        %dma_wait3A_25 = tpu.memref_slice %arg2[%add3A, %scan3A_13, %dma_wait3A_24] : memref<32x79x128xi32, #tpu.memory_space<hbm>> -> memref<1x1x128xi32, #tpu.memory_space<hbm>>
        %dma_wait3A_26 = tpu.memref_squeeze %dma_wait3A_25 : memref<1x1x128xi32, #tpu.memory_space<hbm>> -> memref<128xi32, #tpu.memory_space<hbm>>
        %dma_wait3A_27 = arith.constant 0 : i32
        %dma_wait3A_28 = tpu.memref_slice %arg2[%add3A, %scan3A_13, %dma_wait3A_27] : memref<32x79x128xi32, #tpu.memory_space<hbm>> -> memref<1x1x128xi32, #tpu.memory_space<hbm>>
        %dma_wait3A_29 = tpu.memref_squeeze %dma_wait3A_28 : memref<1x1x128xi32, #tpu.memory_space<hbm>> -> memref<128xi32, #tpu.memory_space<hbm>>
        tpu.wait_dma2 semaphore(%run_scoped3A : memref<!tpu.dma_semaphore, #tpu.memory_space<semaphore_mem>>) src(%dma_wait3A_29 : memref<128xi32, #tpu.memory_space<hbm>>) dst(%arg7 : memref<128xi32, #tpu.memory_space<vmem>>)
        tpu.yield
      }) : () -> ()
      "tpu.region"() ({
        %run_scoped3A = tpu.sem_alloc : memref<!tpu.dma_semaphore, #tpu.memory_space<semaphore_mem>>
        %dma_start3A_18 = arith.constant 0 : i32
        %dma_start3A_19 = tpu.memref_slice %arg3[%add3A, %scan3A_13, %dma_start3A_18] : memref<32x79x128xi32, #tpu.memory_space<hbm>> -> memref<1x1x128xi32, #tpu.memory_space<hbm>>
        %dma_start3A_20 = tpu.memref_squeeze %dma_start3A_19 : memref<1x1x128xi32, #tpu.memory_space<hbm>> -> memref<128xi32, #tpu.memory_space<hbm>>
        %dma_start3A_21 = arith.constant 0 : i32
        %dma_start3A_22 = tpu.memref_slice %arg3[%add3A, %scan3A_13, %dma_start3A_21] : memref<32x79x128xi32, #tpu.memory_space<hbm>> -> memref<1x1x128xi32, #tpu.memory_space<hbm>>
        %dma_start3A_23 = tpu.memref_squeeze %dma_start3A_22 : memref<1x1x128xi32, #tpu.memory_space<hbm>> -> memref<128xi32, #tpu.memory_space<hbm>>
        tpu.enqueue_dma source(%dma_start3A_23 : memref<128xi32, #tpu.memory_space<hbm>>) target(%arg8 : memref<128xi32, #tpu.memory_space<vmem>>) target_semaphore(%run_scoped3A : memref<!tpu.dma_semaphore, #tpu.memory_space<semaphore_mem>>)
        %dma_wait3A_24 = arith.constant 0 : i32
        %dma_wait3A_25 = tpu.memref_slice %arg3[%add3A, %scan3A_13, %dma_wait3A_24] : memref<32x79x128xi32, #tpu.memory_space<hbm>> -> memref<1x1x128xi32, #tpu.memory_space<hbm>>
        %dma_wait3A_26 = tpu.memref_squeeze %dma_wait3A_25 : memref<1x1x128xi32, #tpu.memory_space<hbm>> -> memref<128xi32, #tpu.memory_space<hbm>>
        %dma_wait3A_27 = arith.constant 0 : i32
        %dma_wait3A_28 = tpu.memref_slice %arg3[%add3A, %scan3A_13, %dma_wait3A_27] : memref<32x79x128xi32, #tpu.memory_space<hbm>> -> memref<1x1x128xi32, #tpu.memory_space<hbm>>
        %dma_wait3A_29 = tpu.memref_squeeze %dma_wait3A_28 : memref<1x1x128xi32, #tpu.memory_space<hbm>> -> memref<128xi32, #tpu.memory_space<hbm>>
        tpu.wait_dma2 semaphore(%run_scoped3A : memref<!tpu.dma_semaphore, #tpu.memory_space<semaphore_mem>>) src(%dma_wait3A_29 : memref<128xi32, #tpu.memory_space<hbm>>) dst(%arg8 : memref<128xi32, #tpu.memory_space<vmem>>)
        tpu.yield
      }) : () -> ()
      %dma_start3A = arith.constant 0 : i32
      %dma_start3A_14 = arith.constant 0 : i32
      %dma_start3A_15 = tpu.memref_slice %arg4[%dma_start3A, %dma_start3A_14] : memref<10240x128xf32, #tpu.memory_space<hbm>> -> memref<10240x128xf32, #tpu.memory_space<hbm>>
      tpu.enqueue_indirect_dma source(%dma_start3A_15 : memref<10240x128xf32, #tpu.memory_space<hbm>>) target(%arg9 : memref<128x128xf32, #tpu.memory_space<vmem>>) offsets(%arg7 : memref<128xi32, #tpu.memory_space<vmem>>) semaphore(%arg11 : memref<!tpu.dma_semaphore, #tpu.memory_space<semaphore_mem>>)
      %dma_wait3A = arith.constant 0 : i32
      %dma_wait3A_16 = arith.constant 0 : i32
      %dma_wait3A_17 = tpu.memref_slice %arg4[%dma_wait3A, %dma_wait3A_16] : memref<10240x128xf32, #tpu.memory_space<hbm>> -> memref<10240x128xf32, #tpu.memory_space<hbm>>
      tpu.wait_indirect_dma semaphore(%arg11 : memref<!tpu.dma_semaphore, #tpu.memory_space<semaphore_mem>>) src(%dma_wait3A_17 : memref<10240x128xf32, #tpu.memory_space<hbm>>) dst(%arg9 : memref<128x128xf32, #tpu.memory_space<vmem>>)
      "tpu.region"() ({
        %run_scoped3A = tpu.sem_alloc : memref<!tpu.dma_semaphore, #tpu.memory_space<semaphore_mem>>
        %dma_start3A_18 = arith.constant 0 : i32
        %dma_start3A_19 = arith.constant 0 : i32
        %dma_start3A_20 = tpu.memref_slice %arg10[%dma_start3A_18, %dma_start3A_19] : memref<10240x128xf32, #tpu.memory_space<vmem_shared>> -> memref<10240x128xf32, #tpu.memory_space<vmem_shared>>
        tpu.enqueue_indirect_dma source(%arg9 : memref<128x128xf32, #tpu.memory_space<vmem>>) target(%dma_start3A_20 : memref<10240x128xf32, #tpu.memory_space<vmem_shared>>) offsets(%arg8 : memref<128xi32, #tpu.memory_space<vmem>>) semaphore(%run_scoped3A : memref<!tpu.dma_semaphore, #tpu.memory_space<semaphore_mem>>) {add = true}
        %dma_wait3A_21 = arith.constant 0 : i32
        %dma_wait3A_22 = arith.constant 0 : i32
        %dma_wait3A_23 = tpu.memref_slice %arg10[%dma_wait3A_21, %dma_wait3A_22] : memref<10240x128xf32, #tpu.memory_space<vmem_shared>> -> memref<10240x128xf32, #tpu.memory_space<vmem_shared>>
        tpu.wait_indirect_dma semaphore(%run_scoped3A : memref<!tpu.dma_semaphore, #tpu.memory_space<semaphore_mem>>) src(%arg9 : memref<128x128xf32, #tpu.memory_space<vmem>>) dst(%dma_wait3A_23 : memref<10240x128xf32, #tpu.memory_space<vmem_shared>>)
        tpu.yield
      }) : () -> ()
    }
    %scan3A_6 = arith.constant 79 : i32
    %barrier3A_7 = arith.constant 0 : index
    tpu.barrier barrier_id(%barrier3A_7)
    %eq3A_8 = arith.constant 0 : i32
    %eq3A_9 = arith.cmpi eq, %arg1, %eq3A_8 : i32
    %convert_element_type3A_10 = arith.extui %eq3A_9 : i1 to i32
    %cond3A_11 = arith.constant 0 : i32
    %cond3A_12 = arith.cmpi ne, %convert_element_type3A_10, %cond3A_11 : i32
    scf.if %cond3A_12 {
      "tpu.region"() ({
        %run_scoped3A = tpu.sem_alloc : memref<!tpu.dma_semaphore, #tpu.memory_space<semaphore_mem>>
        %dma_start3A = arith.constant 0 : i32
        %dma_start3A_13 = arith.constant 0 : i32
        %dma_start3A_14 = tpu.memref_slice %arg6[%arg0, %dma_start3A, %dma_start3A_13] : memref<2x10240x128xf32, #tpu.memory_space<hbm>> -> memref<1x10240x128xf32, #tpu.memory_space<hbm>>
        %dma_start3A_15 = tpu.memref_squeeze %dma_start3A_14 : memref<1x10240x128xf32, #tpu.memory_space<hbm>> -> memref<10240x128xf32, #tpu.memory_space<hbm>>
        tpu.enqueue_dma source(%arg10 : memref<10240x128xf32, #tpu.memory_space<vmem_shared>>) target(%dma_start3A_15 : memref<10240x128xf32, #tpu.memory_space<hbm>>) target_semaphore(%run_scoped3A : memref<!tpu.dma_semaphore, #tpu.memory_space<semaphore_mem>>)
        %dma_wait3A = arith.constant 0 : i32
        %dma_wait3A_16 = arith.constant 0 : i32
        %dma_wait3A_17 = tpu.memref_slice %arg6[%arg0, %dma_wait3A, %dma_wait3A_16] : memref<2x10240x128xf32, #tpu.memory_space<hbm>> -> memref<1x10240x128xf32, #tpu.memory_space<hbm>>
        %dma_wait3A_18 = tpu.memref_squeeze %dma_wait3A_17 : memref<1x10240x128xf32, #tpu.memory_space<hbm>> -> memref<10240x128xf32, #tpu.memory_space<hbm>>
        tpu.wait_dma2 semaphore(%run_scoped3A : memref<!tpu.dma_semaphore, #tpu.memory_space<semaphore_mem>>) src(%arg10 : memref<10240x128xf32, #tpu.memory_space<vmem_shared>>) dst(%dma_wait3A_18 : memref<10240x128xf32, #tpu.memory_space<hbm>>)
        tpu.yield
      }) : () -> ()
    } else {
    }
    return
  }
}

#map = affine_map<(d0, d1) -> (0, 0, 0)>
#map1 = affine_map<(d0, d1) -> (0, 0)>
module attributes {stable_mosaic.version = 14 : i64} {
  func.func @deg_kernel(%arg0: i32, %arg1: i32, %arg2: memref<32x79x128xi32, #tpu.memory_space<hbm>>, %arg3: memref<10240x16xf32, #tpu.memory_space<hbm>>, %arg4: memref<2x10240x16xf32, #tpu.memory_space<hbm>>, %arg5: memref<128xi32, #tpu.memory_space<vmem>>, %arg6: memref<128x16xf32, #tpu.memory_space<vmem>>, %arg7: memref<10240x16xf32, #tpu.memory_space<vmem_shared>>, %arg8: memref<!tpu.dma_semaphore, #tpu.memory_space<semaphore_mem>>) attributes {dimension_semantics = [#tpu.dimension_semantics<core_parallel>, #tpu.dimension_semantics<subcore_parallel>], iteration_bounds = array<i64: 2, 16>, scalar_prefetch = 0 : i64, scratch_operands = 4 : i64, tpu.core_type = #tpu.core_type<sc_vector_subcore>, window_params = [{transform_indices = #map}, {transform_indices = #map1}, {transform_indices = #map}]} {
    %mul3A = arith.constant 16 : i32
    %mul3A_0 = arith.muli %arg0, %mul3A : i32
    %add3A = arith.addi %mul3A_0, %arg1 : i32
    %scan3A = arith.constant 0 : i32
    %scan3A_1 = arith.constant 128 : i32
    %scan3A_2 = arith.addi %scan3A, %scan3A_1 : i32
    %scan3A_3 = arith.constant 1 : i32
    scf.for %scan3A_18 = %scan3A to %scan3A_2 step %scan3A_3  : i32 {
      %broadcast_in_dim3A = arith.constant 1.000000e+00 : f32
      %broadcast_in_dim3A_19 = vector.broadcast %broadcast_in_dim3A : f32 to vector<16xf32>
      %swap3A = arith.index_cast %scan3A_18 : i32 to index
      %swap3A_20 = arith.constant 0 : index
      %swap3A_21 = tpu.vector_load %arg6[%swap3A, %swap3A_20] {strides = array<i32>} : memref<128x16xf32, #tpu.memory_space<vmem>>, vector<1x16xf32>,
      %swap3A_22 = vector.shape_cast %swap3A_21 : vector<1x16xf32> to vector<16xf32>
      %swap3A_23 = vector.shape_cast %broadcast_in_dim3A_19 : vector<16xf32> to vector<1x16xf32>
      tpu.vector_store %arg6[%swap3A, %swap3A_20], %swap3A_23 {strides = array<i32>} : memref<128x16xf32, #tpu.memory_space<vmem>>, vector<1x16xf32>,
    }
    %scan3A_4 = arith.constant 128 : i32
    %eq3A = arith.constant 0 : i32
    %eq3A_5 = arith.cmpi eq, %arg1, %eq3A : i32
    %convert_element_type3A = arith.extui %eq3A_5 : i1 to i32
    %cond3A = arith.constant 0 : i32
    %cond3A_6 = arith.cmpi ne, %convert_element_type3A, %cond3A : i32
    scf.if %cond3A_6 {
      "tpu.region"() ({
        %run_scoped3A = tpu.sem_alloc : memref<!tpu.dma_semaphore, #tpu.memory_space<semaphore_mem>>
        tpu.enqueue_dma source(%arg3 : memref<10240x16xf32, #tpu.memory_space<hbm>>) target(%arg7 : memref<10240x16xf32, #tpu.memory_space<vmem_shared>>) target_semaphore(%run_scoped3A : memref<!tpu.dma_semaphore, #tpu.memory_space<semaphore_mem>>)
        tpu.wait_dma2 semaphore(%run_scoped3A : memref<!tpu.dma_semaphore, #tpu.memory_space<semaphore_mem>>) src(%arg3 : memref<10240x16xf32, #tpu.memory_space<hbm>>) dst(%arg7 : memref<10240x16xf32, #tpu.memory_space<vmem_shared>>)
        tpu.yield
      }) : () -> ()
    } else {
    }
    %barrier3A = arith.constant 0 : index
    tpu.barrier barrier_id(%barrier3A)
    %scan3A_7 = arith.constant 0 : i32
    %scan3A_8 = arith.constant 79 : i32
    %scan3A_9 = arith.addi %scan3A_7, %scan3A_8 : i32
    %scan3A_10 = arith.constant 1 : i32
    scf.for %scan3A_18 = %scan3A_7 to %scan3A_9 step %scan3A_10  : i32 {
      "tpu.region"() ({
        %run_scoped3A = tpu.sem_alloc : memref<!tpu.dma_semaphore, #tpu.memory_space<semaphore_mem>>
        %dma_start3A = arith.constant 0 : i32
        %dma_start3A_19 = tpu.memref_slice %arg2[%add3A, %scan3A_18, %dma_start3A] : memref<32x79x128xi32, #tpu.memory_space<hbm>> -> memref<1x1x128xi32, #tpu.memory_space<hbm>>
        %dma_start3A_20 = tpu.memref_squeeze %dma_start3A_19 : memref<1x1x128xi32, #tpu.memory_space<hbm>> -> memref<128xi32, #tpu.memory_space<hbm>>
        %dma_start3A_21 = arith.constant 0 : i32
        %dma_start3A_22 = tpu.memref_slice %arg2[%add3A, %scan3A_18, %dma_start3A_21] : memref<32x79x128xi32, #tpu.memory_space<hbm>> -> memref<1x1x128xi32, #tpu.memory_space<hbm>>
        %dma_start3A_23 = tpu.memref_squeeze %dma_start3A_22 : memref<1x1x128xi32, #tpu.memory_space<hbm>> -> memref<128xi32, #tpu.memory_space<hbm>>
        tpu.enqueue_dma source(%dma_start3A_23 : memref<128xi32, #tpu.memory_space<hbm>>) target(%arg5 : memref<128xi32, #tpu.memory_space<vmem>>) target_semaphore(%run_scoped3A : memref<!tpu.dma_semaphore, #tpu.memory_space<semaphore_mem>>)
        %dma_wait3A = arith.constant 0 : i32
        %dma_wait3A_24 = tpu.memref_slice %arg2[%add3A, %scan3A_18, %dma_wait3A] : memref<32x79x128xi32, #tpu.memory_space<hbm>> -> memref<1x1x128xi32, #tpu.memory_space<hbm>>
        %dma_wait3A_25 = tpu.memref_squeeze %dma_wait3A_24 : memref<1x1x128xi32, #tpu.memory_space<hbm>> -> memref<128xi32, #tpu.memory_space<hbm>>
        %dma_wait3A_26 = arith.constant 0 : i32
        %dma_wait3A_27 = tpu.memref_slice %arg2[%add3A, %scan3A_18, %dma_wait3A_26] : memref<32x79x128xi32, #tpu.memory_space<hbm>> -> memref<1x1x128xi32, #tpu.memory_space<hbm>>
        %dma_wait3A_28 = tpu.memref_squeeze %dma_wait3A_27 : memref<1x1x128xi32, #tpu.memory_space<hbm>> -> memref<128xi32, #tpu.memory_space<hbm>>
        tpu.wait_dma2 semaphore(%run_scoped3A : memref<!tpu.dma_semaphore, #tpu.memory_space<semaphore_mem>>) src(%dma_wait3A_28 : memref<128xi32, #tpu.memory_space<hbm>>) dst(%arg5 : memref<128xi32, #tpu.memory_space<vmem>>)
        tpu.yield
      }) : () -> ()
      "tpu.region"() ({
        %run_scoped3A = tpu.sem_alloc : memref<!tpu.dma_semaphore, #tpu.memory_space<semaphore_mem>>
        %dma_start3A = arith.constant 0 : i32
        %dma_start3A_19 = arith.constant 0 : i32
        %dma_start3A_20 = tpu.memref_slice %arg7[%dma_start3A, %dma_start3A_19] : memref<10240x16xf32, #tpu.memory_space<vmem_shared>> -> memref<10240x16xf32, #tpu.memory_space<vmem_shared>>
        tpu.enqueue_indirect_dma source(%arg6 : memref<128x16xf32, #tpu.memory_space<vmem>>) target(%dma_start3A_20 : memref<10240x16xf32, #tpu.memory_space<vmem_shared>>) offsets(%arg5 : memref<128xi32, #tpu.memory_space<vmem>>) semaphore(%run_scoped3A : memref<!tpu.dma_semaphore, #tpu.memory_space<semaphore_mem>>) {add = true}
        %dma_wait3A = arith.constant 0 : i32
        %dma_wait3A_21 = arith.constant 0 : i32
        %dma_wait3A_22 = tpu.memref_slice %arg7[%dma_wait3A, %dma_wait3A_21] : memref<10240x16xf32, #tpu.memory_space<vmem_shared>> -> memref<10240x16xf32, #tpu.memory_space<vmem_shared>>
        tpu.wait_indirect_dma semaphore(%run_scoped3A : memref<!tpu.dma_semaphore, #tpu.memory_space<semaphore_mem>>) src(%arg6 : memref<128x16xf32, #tpu.memory_space<vmem>>) dst(%dma_wait3A_22 : memref<10240x16xf32, #tpu.memory_space<vmem_shared>>)
        tpu.yield
      }) : () -> ()
    }
    %scan3A_11 = arith.constant 79 : i32
    %barrier3A_12 = arith.constant 0 : index
    tpu.barrier barrier_id(%barrier3A_12)
    %eq3A_13 = arith.constant 0 : i32
    %eq3A_14 = arith.cmpi eq, %arg1, %eq3A_13 : i32
    %convert_element_type3A_15 = arith.extui %eq3A_14 : i1 to i32
    %cond3A_16 = arith.constant 0 : i32
    %cond3A_17 = arith.cmpi ne, %convert_element_type3A_15, %cond3A_16 : i32
    scf.if %cond3A_17 {
      "tpu.region"() ({
        %run_scoped3A = tpu.sem_alloc : memref<!tpu.dma_semaphore, #tpu.memory_space<semaphore_mem>>
        %dma_start3A = arith.constant 0 : i32
        %dma_start3A_18 = arith.constant 0 : i32
        %dma_start3A_19 = tpu.memref_slice %arg4[%arg0, %dma_start3A, %dma_start3A_18] : memref<2x10240x16xf32, #tpu.memory_space<hbm>> -> memref<1x10240x16xf32, #tpu.memory_space<hbm>>
        %dma_start3A_20 = tpu.memref_squeeze %dma_start3A_19 : memref<1x10240x16xf32, #tpu.memory_space<hbm>> -> memref<10240x16xf32, #tpu.memory_space<hbm>>
        tpu.enqueue_dma source(%arg7 : memref<10240x16xf32, #tpu.memory_space<vmem_shared>>) target(%dma_start3A_20 : memref<10240x16xf32, #tpu.memory_space<hbm>>) target_semaphore(%run_scoped3A : memref<!tpu.dma_semaphore, #tpu.memory_space<semaphore_mem>>)
        %dma_wait3A = arith.constant 0 : i32
        %dma_wait3A_21 = arith.constant 0 : i32
        %dma_wait3A_22 = tpu.memref_slice %arg4[%arg0, %dma_wait3A, %dma_wait3A_21] : memref<2x10240x16xf32, #tpu.memory_space<hbm>> -> memref<1x10240x16xf32, #tpu.memory_space<hbm>>
        %dma_wait3A_23 = tpu.memref_squeeze %dma_wait3A_22 : memref<1x10240x16xf32, #tpu.memory_space<hbm>> -> memref<10240x16xf32, #tpu.memory_space<hbm>>
        tpu.wait_dma2 semaphore(%run_scoped3A : memref<!tpu.dma_semaphore, #tpu.memory_space<semaphore_mem>>) src(%arg7 : memref<10240x16xf32, #tpu.memory_space<vmem_shared>>) dst(%dma_wait3A_23 : memref<10240x16xf32, #tpu.memory_space<hbm>>)
        tpu.yield
      }) : () -> ()
    } else {
    }
    return
  }
}

module attributes {stable_mosaic.version = 14 : i64} {
  func.func @_scale_matmul_kernel(%arg0: i32, %arg1: memref<1280x128xf32, #tpu.memory_space<vmem>>, %arg2: memref<128x128xf32, #tpu.memory_space<vmem>>, %arg3: memref<2x1280x16xf32, #tpu.memory_space<vmem>>, %arg4: memref<1280x128xf32, #tpu.memory_space<vmem>>) attributes {dimension_semantics = [#tpu.dimension_semantics<arbitrary>], iteration_bounds = array<i64: 8>, scalar_prefetch = 0 : i64, scratch_operands = 0 : i64, tpu.core_type = #tpu.core_type<tc>, window_params = [{transform_indices = @transform_0, window_bounds = array<i64: 1280, 128>}, {pipeline_mode = #tpu.pipeline_mode<synchronous>, transform_indices = @transform_1, window_bounds = array<i64: 128, 128>}, {transform_indices = @transform_2, window_bounds = array<i64: 2, 1280, 16>}, {transform_indices = @transform_3, window_bounds = array<i64: 1280, 128>}]} {
    %get3A = arith.constant 0 : index
    %get3A_0 = arith.constant 0 : index
    %get3A_1 = vector.load %arg1[%get3A, %get3A_0] : memref<1280x128xf32, #tpu.memory_space<vmem>>, vector<1280x128xf32>
    %get3A_2 = arith.constant 0 : index
    %get3A_3 = arith.constant 0 : index
    %get3A_4 = vector.load %arg2[%get3A_2, %get3A_3] : memref<128x128xf32, #tpu.memory_space<vmem>>, vector<128x128xf32>
    %dot_general3A = arith.constant dense<0.000000e+00> : vector<1280x128xf32>
    %dot_general3A_5 = tpu.matmul %get3A_1, %get3A_4, %dot_general3A {dimension_numbers = #tpu.dot_dimension_numbers<[1], [0], [0], [1], [0, 0, 1, 1], [], []>, transpose_lhs_hint = false} : vector<1280x128xf32>, vector<128x128xf32>, vector<1280x128xf32> -> vector<1280x128xf32>
    %get3A_6 = arith.constant 0 : index
    %get3A_7 = arith.constant 0 : index
    %get3A_8 = arith.constant 0 : index
    %get3A_9 = vector.load %arg3[%get3A_6, %get3A_7, %get3A_8] : memref<2x1280x16xf32, #tpu.memory_space<vmem>>, vector<1x1280x16xf32>
    %get3A_10 = vector.shape_cast %get3A_9 : vector<1x1280x16xf32> to vector<1280x16xf32>
    %get3A_11 = arith.constant 1 : index
    %get3A_12 = arith.constant 0 : index
    %get3A_13 = arith.constant 0 : index
    %get3A_14 = vector.load %arg3[%get3A_11, %get3A_12, %get3A_13] : memref<2x1280x16xf32, #tpu.memory_space<vmem>>, vector<1x1280x16xf32>
    %get3A_15 = vector.shape_cast %get3A_14 : vector<1x1280x16xf32> to vector<1280x16xf32>
    %add3A = arith.addf %get3A_10, %get3A_15 : vector<1280x16xf32>
    %slice3A = vector.extract_strided_slice %add3A {offsets = [0, 0], sizes = [1280, 1], strides = [1, 1]} : vector<1280x16xf32> to vector<1280x1xf32>
    %add3A_16 = arith.constant 1.000000e+00 : f32
    %add3A_17 = vector.broadcast %add3A_16 : f32 to vector<1280x1xf32>
    %add3A_18 = arith.addf %slice3A, %add3A_17 : vector<1280x1xf32>
    %rsqrt3A = math.rsqrt %add3A_18 : vector<1280x1xf32>
    %mul3A = vector.broadcast %rsqrt3A : vector<1280x1xf32> to vector<1280x128xf32>
    %mul3A_19 = arith.mulf %dot_general3A_5, %mul3A : vector<1280x128xf32>
    %swap3A = arith.constant 0 : index
    %swap3A_20 = arith.constant 0 : index
    %swap3A_21 = vector.load %arg4[%swap3A, %swap3A_20] : memref<1280x128xf32, #tpu.memory_space<vmem>>, vector<1280x128xf32>
    tpu.vector_store %arg4[%swap3A, %swap3A_20], %mul3A_19 {strides = array<i32>} : memref<1280x128xf32, #tpu.memory_space<vmem>>, vector<1280x128xf32>,
    return
  }
  func.func @transform_0(%arg0: i32) -> (i32, i32) {
    %c0_i32 = arith.constant 0 : i32
    %c0_i32_0 = arith.constant 0 : i32
    return %arg0, %c0_i32 : i32, i32
  }
  func.func @transform_1(%arg0: i32) -> (i32, i32) {
    %c0_i32 = arith.constant 0 : i32
    %c0_i32_0 = arith.constant 0 : i32
    %c0_i32_1 = arith.constant 0 : i32
    return %c0_i32, %c0_i32_0 : i32, i32
  }
  func.func @transform_2(%arg0: i32) -> (i32, i32, i32) {
    %c0_i32 = arith.constant 0 : i32
    %c0_i32_0 = arith.constant 0 : i32
    %c0_i32_1 = arith.constant 0 : i32
    return %c0_i32, %arg0, %c0_i32_0 : i32, i32, i32
  }
  func.func @transform_3(%arg0: i32) -> (i32, i32) {
    %c0_i32 = arith.constant 0 : i32
    %c0_i32_0 = arith.constant 0 : i32
    return %arg0, %c0_i32 : i32, i32
  }
}

module attributes {stable_mosaic.version = 14 : i64} {
  func.func @_finish_kernel(%arg0: i32, %arg1: memref<2x1280x128xf32, #tpu.memory_space<vmem>>, %arg2: memref<1280x128xf32, #tpu.memory_space<vmem>>, %arg3: memref<2x1280x16xf32, #tpu.memory_space<vmem>>, %arg4: memref<1x128xf32, #tpu.memory_space<vmem>>, %arg5: memref<1280x1xi32, #tpu.memory_space<vmem>>, %arg6: memref<64x128xf32, #tpu.memory_space<vmem>>, %arg7: memref<64x128xf32, #tpu.memory_space<vmem>>) attributes {dimension_semantics = [#tpu.dimension_semantics<arbitrary>], iteration_bounds = array<i64: 8>, scalar_prefetch = 0 : i64, scratch_operands = 1 : i64, tpu.core_type = #tpu.core_type<tc>, window_params = [{transform_indices = @transform_0, window_bounds = array<i64: 2, 1280, 128>}, {transform_indices = @transform_1, window_bounds = array<i64: 1280, 128>}, {transform_indices = @transform_2, window_bounds = array<i64: 2, 1280, 16>}, {pipeline_mode = #tpu.pipeline_mode<synchronous>, transform_indices = @transform_3, window_bounds = array<i64: 1, 128>}, {transform_indices = @transform_4, window_bounds = array<i64: 1280, 1>}, {pipeline_mode = #tpu.pipeline_mode<synchronous>, transform_indices = @transform_5, window_bounds = array<i64: 64, 128>}]} {
    %eq3A = arith.constant 0 : i32
    %eq3A_0 = arith.cmpi eq, %arg0, %eq3A : i32
    %convert_element_type3A = arith.extui %eq3A_0 : i1 to i32
    %cond3A = arith.constant 0 : i32
    %cond3A_1 = arith.cmpi ne, %convert_element_type3A, %cond3A : i32
    scf.if %cond3A_1 {
      %broadcast_in_dim3A_66 = arith.constant 0.000000e+00 : f32
      %broadcast_in_dim3A_67 = vector.broadcast %broadcast_in_dim3A_66 : f32 to vector<64x128xf32>
      %swap3A_68 = arith.constant 0 : index
      %swap3A_69 = arith.constant 0 : index
      %swap3A_70 = vector.load %arg6[%swap3A_68, %swap3A_69] : memref<64x128xf32, #tpu.memory_space<vmem>>, vector<64x128xf32>
      tpu.vector_store %arg6[%swap3A_68, %swap3A_69], %broadcast_in_dim3A_67 {strides = array<i32>} : memref<64x128xf32, #tpu.memory_space<vmem>>, vector<64x128xf32>,
      %broadcast_in_dim3A_71 = arith.constant 0.000000e+00 : f32
      %broadcast_in_dim3A_72 = vector.broadcast %broadcast_in_dim3A_71 : f32 to vector<64x128xf32>
      %swap3A_73 = arith.constant 0 : index
      %swap3A_74 = arith.constant 0 : index
      %swap3A_75 = vector.load %arg7[%swap3A_73, %swap3A_74] : memref<64x128xf32, #tpu.memory_space<vmem>>, vector<64x128xf32>
      tpu.vector_store %arg7[%swap3A_73, %swap3A_74], %broadcast_in_dim3A_72 {strides = array<i32>} : memref<64x128xf32, #tpu.memory_space<vmem>>, vector<64x128xf32>,
    } else {
    }
    %get3A = arith.constant 0 : index
    %get3A_2 = arith.constant 0 : index
    %get3A_3 = arith.constant 0 : index
    %get3A_4 = vector.load %arg3[%get3A, %get3A_2, %get3A_3] : memref<2x1280x16xf32, #tpu.memory_space<vmem>>, vector<1x1280x16xf32>
    %get3A_5 = vector.shape_cast %get3A_4 : vector<1x1280x16xf32> to vector<1280x16xf32>
    %get3A_6 = arith.constant 1 : index
    %get3A_7 = arith.constant 0 : index
    %get3A_8 = arith.constant 0 : index
    %get3A_9 = vector.load %arg3[%get3A_6, %get3A_7, %get3A_8] : memref<2x1280x16xf32, #tpu.memory_space<vmem>>, vector<1x1280x16xf32>
    %get3A_10 = vector.shape_cast %get3A_9 : vector<1x1280x16xf32> to vector<1280x16xf32>
    %add3A = arith.addf %get3A_5, %get3A_10 : vector<1280x16xf32>
    %slice3A = vector.extract_strided_slice %add3A {offsets = [0, 0], sizes = [1280, 1], strides = [1, 1]} : vector<1280x16xf32> to vector<1280x1xf32>
    %add3A_11 = arith.constant 1.000000e+00 : f32
    %add3A_12 = vector.broadcast %add3A_11 : f32 to vector<1280x1xf32>
    %add3A_13 = arith.addf %slice3A, %add3A_12 : vector<1280x1xf32>
    %rsqrt3A = math.rsqrt %add3A_13 : vector<1280x1xf32>
    %get3A_14 = arith.constant 0 : index
    %get3A_15 = arith.constant 0 : index
    %get3A_16 = arith.constant 0 : index
    %get3A_17 = vector.load %arg1[%get3A_14, %get3A_15, %get3A_16] : memref<2x1280x128xf32, #tpu.memory_space<vmem>>, vector<1x1280x128xf32>
    %get3A_18 = vector.shape_cast %get3A_17 : vector<1x1280x128xf32> to vector<1280x128xf32>
    %get3A_19 = arith.constant 1 : index
    %get3A_20 = arith.constant 0 : index
    %get3A_21 = arith.constant 0 : index
    %get3A_22 = vector.load %arg1[%get3A_19, %get3A_20, %get3A_21] : memref<2x1280x128xf32, #tpu.memory_space<vmem>>, vector<1x1280x128xf32>
    %get3A_23 = vector.shape_cast %get3A_22 : vector<1x1280x128xf32> to vector<1280x128xf32>
    %add3A_24 = arith.addf %get3A_18, %get3A_23 : vector<1280x128xf32>
    %get3A_25 = arith.constant 0 : index
    %get3A_26 = arith.constant 0 : index
    %get3A_27 = vector.load %arg2[%get3A_25, %get3A_26] : memref<1280x128xf32, #tpu.memory_space<vmem>>, vector<1280x128xf32>
    %add3A_28 = arith.addf %add3A_24, %get3A_27 : vector<1280x128xf32>
    %mul3A = vector.broadcast %rsqrt3A : vector<1280x1xf32> to vector<1280x128xf32>
    %mul3A_29 = arith.mulf %add3A_28, %mul3A : vector<1280x128xf32>
    %get3A_30 = arith.constant 0 : index
    %get3A_31 = arith.constant 0 : index
    %get3A_32 = vector.load %arg4[%get3A_30, %get3A_31] : memref<1x128xf32, #tpu.memory_space<vmem>>, vector<1x128xf32>
    %add3A_33 = vector.broadcast %get3A_32 : vector<1x128xf32> to vector<1280x128xf32>
    %add3A_34 = arith.addf %mul3A_29, %add3A_33 : vector<1280x128xf32>
    %max3A = arith.constant 0.000000e+00 : f32
    %max3A_35 = vector.broadcast %max3A : f32 to vector<1280x128xf32>
    %max3A_36 = arith.maximumf %add3A_34, %max3A_35 : vector<1280x128xf32>
    %get3A_37 = arith.constant 0 : index
    %get3A_38 = arith.constant 0 : index
    %get3A_39 = vector.load %arg5[%get3A_37, %get3A_38] : memref<1280x1xi32, #tpu.memory_space<vmem>>, vector<1280x1xi32>
    %iota3A = tpu.iota {dimensions = array<i32: 1>} : vector<1280x64xi32>
    %eq3A_40 = vector.broadcast %get3A_39 : vector<1280x1xi32> to vector<1280x64xi32>
    %eq3A_41 = arith.cmpi eq, %eq3A_40, %iota3A : vector<1280x64xi32>
    %convert_element_type3A_42 = arith.extui %eq3A_41 : vector<1280x64xi1> to vector<1280x64xi32>
    %convert_element_type3A_43 = arith.sitofp %convert_element_type3A_42 : vector<1280x64xi32> to vector<1280x64xf32>
    %get3A_44 = arith.constant 0 : index
    %get3A_45 = arith.constant 0 : index
    %get3A_46 = vector.load %arg6[%get3A_44, %get3A_45] : memref<64x128xf32, #tpu.memory_space<vmem>>, vector<64x128xf32>
    %dot_general3A = arith.constant dense<0.000000e+00> : vector<64x128xf32>
    %dot_general3A_47 = tpu.matmul %convert_element_type3A_43, %max3A_36, %dot_general3A {dimension_numbers = #tpu.dot_dimension_numbers<[0], [0], [1], [1], [0, 1, 1, 1], [], []>, transpose_lhs_hint = false} : vector<1280x64xf32>, vector<1280x128xf32>, vector<64x128xf32> -> vector<64x128xf32>
    %add3A_48 = arith.addf %get3A_46, %dot_general3A_47 : vector<64x128xf32>
    %swap3A = arith.constant 0 : index
    %swap3A_49 = arith.constant 0 : index
    %swap3A_50 = vector.load %arg6[%swap3A, %swap3A_49] : memref<64x128xf32, #tpu.memory_space<vmem>>, vector<64x128xf32>
    tpu.vector_store %arg6[%swap3A, %swap3A_49], %add3A_48 {strides = array<i32>} : memref<64x128xf32, #tpu.memory_space<vmem>>, vector<64x128xf32>,
    %get3A_51 = arith.constant 0 : index
    %get3A_52 = arith.constant 0 : index
    %get3A_53 = vector.load %arg7[%get3A_51, %get3A_52] : memref<64x128xf32, #tpu.memory_space<vmem>>, vector<64x128xf32>
    %broadcast_in_dim3A = arith.constant 1.000000e+00 : f32
    %broadcast_in_dim3A_54 = vector.broadcast %broadcast_in_dim3A : f32 to vector<1280x128xf32>
    %dot_general3A_55 = arith.constant dense<0.000000e+00> : vector<64x128xf32>
    %dot_general3A_56 = tpu.matmul %convert_element_type3A_43, %broadcast_in_dim3A_54, %dot_general3A_55 {dimension_numbers = #tpu.dot_dimension_numbers<[0], [0], [1], [1], [0, 1, 1, 1], [], []>, transpose_lhs_hint = false} : vector<1280x64xf32>, vector<1280x128xf32>, vector<64x128xf32> -> vector<64x128xf32>
    %add3A_57 = arith.addf %get3A_53, %dot_general3A_56 : vector<64x128xf32>
    %swap3A_58 = arith.constant 0 : index
    %swap3A_59 = arith.constant 0 : index
    %swap3A_60 = vector.load %arg7[%swap3A_58, %swap3A_59] : memref<64x128xf32, #tpu.memory_space<vmem>>, vector<64x128xf32>
    tpu.vector_store %arg7[%swap3A_58, %swap3A_59], %add3A_57 {strides = array<i32>} : memref<64x128xf32, #tpu.memory_space<vmem>>, vector<64x128xf32>,
    %eq3A_61 = arith.constant 7 : i32
    %eq3A_62 = arith.cmpi eq, %arg0, %eq3A_61 : i32
    %convert_element_type3A_63 = arith.extui %eq3A_62 : i1 to i32
    %cond3A_64 = arith.constant 0 : i32
    %cond3A_65 = arith.cmpi ne, %convert_element_type3A_63, %cond3A_64 : i32
    scf.if %cond3A_65 {
      %get3A_66 = arith.constant 0 : index
      %get3A_67 = arith.constant 0 : index
      %get3A_68 = vector.load %arg6[%get3A_66, %get3A_67] : memref<64x128xf32, #tpu.memory_space<vmem>>, vector<64x128xf32>
      %get3A_69 = arith.constant 0 : index
      %get3A_70 = arith.constant 0 : index
      %get3A_71 = vector.load %arg7[%get3A_69, %get3A_70] : memref<64x128xf32, #tpu.memory_space<vmem>>, vector<64x128xf32>
      %max3A_72 = arith.constant 1.000000e+00 : f32
      %max3A_73 = vector.broadcast %max3A_72 : f32 to vector<64x128xf32>
      %max3A_74 = arith.maximumf %get3A_71, %max3A_73 : vector<64x128xf32>
      %div3A = arith.divf %get3A_68, %max3A_74 : vector<64x128xf32>
      %swap3A_75 = arith.constant 0 : index
      %swap3A_76 = arith.constant 0 : index
      %swap3A_77 = vector.load %arg6[%swap3A_75, %swap3A_76] : memref<64x128xf32, #tpu.memory_space<vmem>>, vector<64x128xf32>
      tpu.vector_store %arg6[%swap3A_75, %swap3A_76], %div3A {strides = array<i32>} : memref<64x128xf32, #tpu.memory_space<vmem>>, vector<64x128xf32>,
    } else {
    }
    return
  }
  func.func @transform_0(%arg0: i32) -> (i32, i32, i32) {
    %c0_i32 = arith.constant 0 : i32
    %c0_i32_0 = arith.constant 0 : i32
    %c0_i32_1 = arith.constant 0 : i32
    return %c0_i32, %arg0, %c0_i32_0 : i32, i32, i32
  }
  func.func @transform_1(%arg0: i32) -> (i32, i32) {
    %c0_i32 = arith.constant 0 : i32
    %c0_i32_0 = arith.constant 0 : i32
    return %arg0, %c0_i32 : i32, i32
  }
  func.func @transform_2(%arg0: i32) -> (i32, i32, i32) {
    %c0_i32 = arith.constant 0 : i32
    %c0_i32_0 = arith.constant 0 : i32
    %c0_i32_1 = arith.constant 0 : i32
    return %c0_i32, %arg0, %c0_i32_0 : i32, i32, i32
  }
  func.func @transform_3(%arg0: i32) -> (i32, i32) {
    %c0_i32 = arith.constant 0 : i32
    %c0_i32_0 = arith.constant 0 : i32
    %c0_i32_1 = arith.constant 0 : i32
    return %c0_i32, %c0_i32_0 : i32, i32
  }
  func.func @transform_4(%arg0: i32) -> (i32, i32) {
    %c0_i32 = arith.constant 0 : i32
    %c0_i32_0 = arith.constant 0 : i32
    return %arg0, %c0_i32 : i32, i32
  }
  func.func @transform_5(%arg0: i32) -> (i32, i32) {
    %c0_i32 = arith.constant 0 : i32
    %c0_i32_0 = arith.constant 0 : i32
    %c0_i32_1 = arith.constant 0 : i32
    return %c0_i32, %c0_i32_0 : i32, i32
  }
}

</mosaic_0001>

<sc_bundles>
// kernel: kernel.6.cloned.1.call-start
scs
__scs_entry_jumppad:
0x0: {  	(pc) =	sbr.rel $0x88, $3  }
0x1: {  	(tag) =	ssettag $0x0;
	lr =	simm.s32 $0x1  }
0x2: {  	[smem:$0x3F9C] =	sst lr;
	_ =	strace $0xD0000000  }
0x3: {  	_ = 	snop  }
0x4: {  	_ = 	snop  }
0x5: {  	_ = 	snop  }
0x6: {  	_ = 	snop  }
0x7: {  	_ = 	snop  }
__scs_overlays_trampoline_lowered:
0x8: {  	[smem:$0x3FAB] =	sst s0  }
0x9: {  	[smem:$0x3FAC] =	sst s1  }
0xa: {  	[smem:$0x3FAD] =	sst s2  }
0xb: {  	[smem:$0x3FAE] =	sst s3  }
0xc: {  	[smem:$0x3FAF] =	sst s4  }
0xd: {  	[smem:$0x3FB0] =	sst s5  }
0xe: {  	[smem:$0x3FB1] =	sst s6  }
0xf: {  	[smem:$0x3FB2] =	sst s7  }
0x10: {  	[smem:$0x3FB3] =	sst s8  }
0x11: {  	[smem:$0x3FB4] =	sst s9;
	s0 =	simm.s32 @!p0 $0x0  }
0x12: {  	s1 =	sld [smem:$0x3F9A];
	s0 =	simm.s32 @p0 $0x1  }
0x13: {  	[smem:$0x3FB5] =	sst s0;
	s0 =	simm.s32 @!p1 $0x0  }
0x14: {  	s2 =	sld [smem:$0x3F99];
	s0 =	simm.s32 @p1 $0x1  }
0x15: {  	[smem:$0x3FB6] =	sst s0;
	s0 =	simm.s32 @!p2 $0x0  }
0x16: {  	s3 =	sld [smem:$0x3FDB];
	s0 =	simm.s32 @p2 $0x1  }
0x17: {  	s4 =	simm.s32 $0x1BF5;
	[smem:$0x3FB8] =	sst s0  }
0x18: {  	s0 =	sld [smem:$0x3F9B];
	_ =	swait.ge [sflag:s4], $0x0  }
0x19: {  	s7 =	sld [smem:$0x3F9C]  }
0x1a: {  	s8 =	sadd.s32 $0xFFFFE003, lr  }
0x1b: {  	s9 =	sadd.s32 $0xFFFFFEF7, lr;
	s5 =	simm.s32 $0xFFFFFFFF;
	p2 =	slt.u32 s8, $0xFFFFF086  }
0x1c: {  	p1 =	slt.u32 s9, $0xF7A;
	s5 =	simm.s32 @!p2 $0x0  }
0x1d: {  	s5 =	simm.s32 @p1 $0x1;
	p0 =	seq.s32 s7, s2  }
0x1e: {  	s7 =	smul.u32 @!p0 $0xF7A, s2;
	p2 =	seq.s32 @!p0 s5, $0x0  }
0x1f: {  	s9 =	smul.u32 $0xF7A, s1;
	s8 =	simm.s32 @!p0 $0x1BF5;
	p2 =	por !p2, p0  }
0x20: {  	[sflag:s8] =	ssyncset.s32 @!p0 $0xFFFFF086;
	s6 =	sadd.s32 @!p0 s3, s7;
	s7 =	simm.s32 @!p0 $0x108  }
0x21: {  	s3 =	sadd.s32 s3, s9;
	s6 =	sadd.s32 @!p0 $0x88, s6;
	s7 =	simm.s32 @p2 $0x1082  }
0x22: {  	[simem:s7], [sflag:s8] =	dma.local @!p0 [hbm:s6], $0xF7A  }
0x23: {  	s9 =	sor.u32 $0xD0000000, s2;
	s6 =	simm.s32 $0x108;
	_ =	swait.ge @!p0 [sflag:s8], $0x0  }
0x24: {  	s3 =	sadd.s32 $0x88, s3;
	s6 =	simm.s32 @!p1 $0x1082;
	[sflag:s4] =	ssyncset.s32 $0xFFFFF086  }
0x25: {  	[simem:s6], [sflag:s4] =	dma.local [hbm:s3], $0xF7A  }
0x26: {  	[smem:$0x3F9C] =	sst s1;
	(tag) =	ssettag s2;
	_ =	strace s9  }
0x27: {  	s1 =	sld [smem:$0x3FAC]  }
0x28: {  	s2 =	sld [smem:$0x3FAD]  }
0x29: {  	s4 =	sld [smem:$0x3FAF]  }
0x2a: {  	p0 =	seq.s32 s5, $0x0;
	s5 =	sld [smem:$0x3FB0]  }
0x2b: {  	s6 =	sld [smem:$0x3FB1]  }
0x2c: {  	s7 =	sld [smem:$0x3FB2]  }
0x2d: {  	s3 =	simm.s32 $0x108;
	s8 =	sld [smem:$0x3FB3]  }
0x2e: {  	s3 =	simm.s32 @!p0 $0x1082;
	s9 =	sld [smem:$0x3FB4]  }
0x2f: {  	lr =	sadd.s32 s0, s3;
	s0 =	sld [smem:$0x3FAB]  }
0x30: {  	s3 =	sld [smem:$0x3FAE]  }
0x31: {  	[smem:$0x3FB7] =	sst s10  }
0x32: {  	s10 =	sld [smem:$0x3FB5];
	_ =	sdelay $0x3  }
0x33: {  	p0 =	seq.s32 s10, $0x1;
	s10 =	sld [smem:$0x3FB7];
	_ =	sdelay $0x3  }
0x34: {  	[smem:$0x3FB7] =	sst s10  }
0x35: {  	s10 =	sld [smem:$0x3FB6];
	_ =	sdelay $0x3  }
0x36: {  	p1 =	seq.s32 s10, $0x1;
	s10 =	sld [smem:$0x3FB7];
	_ =	sdelay $0x3  }
0x37: {  	[smem:$0x3FB7] =	sst s10  }
0x38: {  	s10 =	sld [smem:$0x3FB8]  }
0x39: {  	_ = 	snop;
	(pc) =	sbr.ind lr, $3  }
0x3a: {  	_ = 	snop  }
0x3b: {  	_ = 	snop  }
0x3c: {  	p2 =	seq.s32 s10, $0x1;
	s10 =	sld [smem:$0x3FB7]  }
0x3d: {  	_ =	shalt  }
0x3e: {  	_ =	shalt  }
0x3f: {  	_ =	shalt  }
0x40: {  	_ =	shalt  }
0x41: {  	_ =	shalt  }
0x42: {  	_ =	shalt  }
0x43: {  	_ =	shalt  }
0x44: {  	_ =	shalt  }
0x45: {  	_ =	shalt  }
0x46: {  	_ =	shalt  }
0x47: {  	_ =	shalt  }
0x48: {  	_ =	shalt  }
0x49: {  	_ =	shalt  }
0x4a: {  	_ =	shalt  }
0x4b: {  	_ =	shalt  }
0x4c: {  	_ =	shalt  }
0x4d: {  	_ =	shalt  }
0x4e: {  	_ =	shalt  }
0x4f: {  	_ =	shalt  }
0x50: {  	_ =	shalt  }
0x51: {  	_ =	shalt  }
0x52: {  	_ =	shalt  }
0x53: {  	_ =	shalt  }
0x54: {  	_ =	shalt  }
0x55: {  	_ =	shalt  }
0x56: {  	_ =	shalt  }
0x57: {  	_ =	shalt  }
0x58: {  	_ =	shalt  }
0x59: {  	_ =	shalt  }
0x5a: {  	_ =	shalt  }
0x5b: {  	_ =	shalt  }
0x5c: {  	_ =	shalt  }
0x5d: {  	_ =	shalt  }
0x5e: {  	_ =	shalt  }
0x5f: {  	_ =	shalt  }
0x60: {  	_ =	shalt  }
0x61: {  	_ =	shalt  }
0x62: {  	_ =	shalt  }
0x63: {  	_ =	shalt  }
0x64: {  	_ =	shalt  }
0x65: {  	_ =	shalt  }
0x66: {  	_ =	shalt  }
0x67: {  	_ =	shalt  }
0x68: {  	_ =	shalt  }
0x69: {  	_ =	shalt  }
0x6a: {  	_ =	shalt  }
0x6b: {  	_ =	shalt  }
0x6c: {  	_ =	shalt  }
0x6d: {  	_ =	shalt  }
0x6e: {  	_ =	shalt  }
0x6f: {  	_ =	shalt  }
0x70: {  	_ =	shalt  }
0x71: {  	_ =	shalt  }
0x72: {  	_ =	shalt  }
0x73: {  	_ =	shalt  }
0x74: {  	_ =	shalt  }
0x75: {  	_ =	shalt  }
0x76: {  	_ =	shalt  }
0x77: {  	_ =	shalt  }
0x78: {  	_ =	shalt  }
0x79: {  	_ =	shalt  }
0x7a: {  	_ =	shalt  }
0x7b: {  	_ =	shalt  }
0x7c: {  	_ =	shalt  }
0x7d: {  	_ =	shalt  }
0x7e: {  	_ =	shalt  }
0x7f: {  	_ =	shalt  }
0x80: {  	_ =	shalt  }
0x81: {  	_ =	shalt  }
0x82: {  	_ =	shalt  }
0x83: {  	_ =	shalt  }
0x84: {  	_ =	shalt  }
0x85: {  	_ =	shalt  }
0x86: {  	_ =	shalt  }
0x87: {  	_ =	shalt  }
.Lfunc_end0:
.L_simem_size_0:
called_computation_lowered:
.L_overlay_start_0:
0x88: {  	s2 =	sld [smem:$0x3FD9]  }
0x89: {  	s3 =	sld [smem:$0x3FFE];
	_ =	sdelay $0x1  }
0x8a: {  	s1 =	srdreg.scid  }
0x8b: {  	s0 =	sand.u32 $0x1, s1  }
0x8c: {  	s16 =	sshll.u32 s0, $0xA;
	s2 =	sadd.s32 s3, s2  }
0x8d: {  	s2 =	sadd.s32 s2, s16  }
0x8e: {  	[smem:$0x3FC3] =	sst s2  }
0x8f: {  	_ = 	snop  }
0x90: {  	(tm) =	ssettm $0x1  }
0x91: {  	s17 =	sld [smem:$0x3FFB];
	_ =	sdelay $0x3  }
0x92: {  	_ =	strace s17  }
0x93: {  	s2 =	sld [smem:$0x3FFC];
	_ =	sdelay $0x3  }
0x94: {  	_ =	strace s2  }
0x95: {  	s2 =	sld [smem:$0x3FFD];
	_ =	sdelay $0x3  }
0x96: {  	_ =	strace s2  }
0x97: {  	_ =	strace $0x8FFFFFFF  }
0x98: {  	s18 =	sld [smem:$0x3FDB];
	_ =	sdelay $0x1  }
0x99: {  	s19 =	simm.s32 $_scs_section_size  }
0x9a: {  	s4 =	simm.s32 $_size__tile_overlayer_lowered;
	s5 =	simm.s32 $_tile_overlayer_lowered  }
0x9b: {  	s22 =	simm.s32 $0x1BFF;
	s21 =	sshll.u32 s5, $0x1;
	s2 =	sadd.s32 s19, s18  }
0x9c: {  	s6 =	simm.s32 $0x0;
	s20 =	sshll.u32 s4, $0x1;
	s4 =	sadd.s32 s21, s2  }
0x9d: {  	[timem:s6], [sflag:s22] =	dma.local [hbm:s4], s20  }
0x9e: {  	_ =	swait.ge [sflag:s22], s20  }
0x9f: {  	s3 =	ssub.s32 $0x0, s20;
	[sflag:s22] =	ssyncset.done $0x0  }
0xa0: {  	[sflag:s22] =	ssyncadd.s32 s3;
	_ =	sdelay $0x1  }
0xa1: {  	s23 =	simm.s32 $0x1B8B  }
0xa2: {  	_ =	swait.ge [sflag:s23], $0x1  }
0xa3: {  	[sflag:s23] =	ssyncset.done $0x0  }
0xa4: {  	s25 =	simm.s32 $0x1B8E;
	s24 =	sld [smem:$0x3FFE];
	[sflag:s23] =	ssyncadd.s32 $0xFFFFFFFF  }
0xa5: {  	s26 =	simm.s32 $execute0_lowered;
	[smem:$0x3FD2] =	sst s25  }
0xa6: {  	s4 =	sshll.u32 s26, $0x1;
	_ =	strace $0x80000046;
	[dreg:$0x1] =	wrdreg $0xFFFFFFFF  }
0xa7: {  	s28 =	simm.s32 $_size_execute0_lowered;
	s2 =	sadd.s32 s2, s4;
	[dreg:$0x0] =	wrdreg $0x0  }
0xa8: {  	s4 =	sshll.u32 s28, $0x1;
	[dreg:$0x2] =	wrdreg s2  }
0xa9: {  	[dreg:$0x3] =	wrdreg s4  }
0xaa: {  	[dreg:$0x4] =	wrdreg $0xC0  }
0xab: {  	_ =	task [dreg:s6], $0x5FFFF  }
0xac: {  	[dreg:$0x1] =	wrdreg $0xFFFFFFFF  }
0xad: {  	[dreg:$0x0] =	wrdreg $0x60  }
0xae: {  	[dreg:$0x2] =	wrdreg s24  }
0xaf: {  	[dreg:$0x3] =	wrdreg $0x40800  }
0xb0: {  	[dreg:$0x4] =	wrdreg $0x9  }
0xb1: {  	_ =	task.clear_ibuf [dreg:s6], $0x5FFFF;
	_ =	strace $0x90000046  }
0xb2: {  	s29 =	simm.s32 $0x9;
	_ =	strace $0x80000048  }
0xb3: {  	_ =	swait.ge [sflag:s29], $0x1  }
0xb4: {  	[sflag:s29] =	ssyncadd.s32 $0xFFFFFFFF  }
0xb5: {  	_ =	strace $0x90000048  }
0xb6: {  	_ =	sfence  }
0xb7: {  	s30 =	sld [smem:$0x0];
	_ =	sdelay $0x2  }
0xb8: {  	s31 =	sshll.u32 s1, $0xD;
	s1 =	sshrl.u32 s1, $0x2  }
0xb9: {  	s3 =	sand.u32 $0x4000, s31;
	s1 =	sadd.s32 s1, s30  }
0xba: {  	s0 =	sor.u32 s3, s0;
	s1 =	sshll.u32 s1, $0x11  }
0xbb: {  	s0 =	sor.u32 s1, s0  }
0xbc: {  	s0 =	sadd.s32 $0x8F2B, s0  }
0xbd: {  	[sflag:s0] =	ssyncadd.remote.s32 $0x1  }
0xbe: {  	_ =	sfence.sel $0xFFFF  }
0xbf: {  	[dreg:$0x0] =	wrdreg $0xFFFFFFFF;
	(pc) =	sbr.abs _section_cstart, $3  }
0xc0: {  	[dreg:$0x1] =	wrdreg $0xFFFFFFFF  }
0xc1: {  	_ =	task.clear_ibuf [dreg:s6], $0x2FFFF;
	_ =	strace $0x9FFFFFFF  }
0xc2: {  	(tm) =	ssettm $0x7FFFFFFF  }
0xc3: {  	_ =	shalt  }
tec
execute0_lowered:
.L_overlay_start_1:
0x0: {  	(tag) =	ssettag $0x1  }
0x1: {  	s5 =	rddreg [dreg:$0x0]  }
0x2: {  	s1 =	rddreg [dreg:$0x1]  }
0x3: {  	s0 =	rddreg [dreg:$0x2];
	s2 =	simm.s32 $0x0;
	s3 =	srdreg.scid  }
0x4: {  	s8 =	stileid.u32;
	s10 =	simm.s32 $0x80;
	s11 =	simm.s32 $0x0  }
0x5: {  	[smem:$0x7FF] =	sst s2;
	s6 =	sand.u32 $0x1, s3;
	s3 =	sadd.s32 $0x1600, s5  }
0x6: {  	s4 =	sadd.s32 $0xB600, s5;
	p0 =	sne.s32 s8, $0x0;
	_ =	strace $0x80000047  }
0x7: {  	s7 =	smul.u32 $0x28000, s6;
	s9 =	ssub.s32 $0x2, s6;
	s6 =	sshll.u32 s6, $0x4  }
0x8: {  	s31 =	sshrl.u32 s9, $0x1;
	s6 =	sor.u32 s8, s6;
	s8 =	sshrl.u32 @!p0 s1, $0x3  }
0x9: {  	s7 =	sadd.s32 s7, s5;
	s9 =	ssub.s32 s9, s31;
	s5 =	smul.u32 $0x2800, s6  }
0xa: {  	v0 =	vimm.f32 $1.000000000e+00;
	s6 =	sadd.s32 $0x33600, s7;
	s7 =	smax.u32 s9, $0x1;
	s9 =	simm.s32 $0x1  }
.LBB2_1:
0xb: {  	s12 =	simm.s32 $0x200;
	s13 =	simm.s32 $0x0  }
.LBB2_2:
0xc: {  	p1 =	sne.s32 s12, $0xFE00;
	[tilespmem:s13+$0x80] =	vst v0;
	s13 =	smov.u32 s12;
	s12 =	sadd.s32 $0x200, s12  }
.Ltmp0:
0xd: {  	(pc) =	sbr.rel @p1 .LBB2_2-.Ltmp0, $2  }
0xe: {  	_ =	sdelay $0x2  }
0xf: {  	s13 =	sshra.s32 s13, $0x2  }
0x10: {  	[tilespmem:s13+$0x80] =	vst v0;
	s12 =	simm.s32 @!p0 $0x1C01;
	s28 =	simm.s32 $0x0  }
0x11: {  	[spmem:s8], [sflag:s12] =	dma.local @!p0 [hbm:s4], $0x28000  }
0x12: {  	s13 =	simm.s32 @!p0 $0x1;
	s14 =	sand.u32 $0x3C00, s28  }
0x13: {  	s12 =	sand.u32 $0x380, s28;
	_ =	swait.ge @!p0 [sflag:s13], $0x28000;
	s14 =	sadd.s32 s5, s14  }
0x14: {  	[sflag:s13] =	ssyncset.done @!p0 $0x0;
	s12 =	sor.u32 s12, s14  }
0x15: {  	[sflag:s13] =	ssyncadd.s32 @!p0 $0xFFFD8000;
	s12 =	sshrl.u32 s12, $0x3  }
0x16: {  	[bflag:$0x0] =	sbarrier.arrive $0xFFFF;
	s12 =	sadd.s32 s3, s12  }
0x17: {  	[tilespmem:s2], [sflag:$0x1] =	stream.linear.gather [hbm4b:s12+s2], $0x80, $0x38;
	[tilespmem:$0x6880] =	vst v63  }
0x18: {  	_ =	swait.ge [sflag:s9], $0x80  }
0x19: {  	s29 =	simm.s32 $0x80;
	[sflag:s9] =	ssyncset.done $0x0  }
0x1a: {  	s30 =	sand.u32 $0x3C00, s29;
	[sflag:s9] =	ssyncadd.s32 $0xFFFFFF80  }
0x1b: {  	[spmem:s1] =	stream.indirect.scatter.add.f32 [tilespmem:s10], [sflag:$0x1], $0x10, s2, s10, $0xb8;
	[tilespmem:$0x6880] =	vst v63  }
0x1c: {  	s31 =	sand.u32 $0x380, s29;
	s13 =	sadd.s32 s5, s30;
	_ =	swait.ge [sflag:s9], $0x800  }
0x1d: {  	s13 =	sor.u32 s31, s13;
	s12 =	simm.s32 $0x100;
	[sflag:s9] =	ssyncset.done $0x0  }
.LBB2_4:
0x1e: {  	s13 =	sshrl.u32 s13, $0x3  }
0x1f: {  	[sflag:s9] =	ssyncadd.s32 $0xFFFFF800;
	s14 =	smov.u32 s12;
	s15 =	sadd.s32 $0x80, s12  }
0x20: {  	p1 =	sne.s32 s12, $0x2700;
	s12 =	sadd.s32 s3, s13  }
0x21: {  	[tilespmem:s2], [sflag:$0x1] =	stream.linear.gather [hbm4b:s12+s2], $0x80, $0x38;
	[tilespmem:$0x6880] =	vst v63  }
0x22: {  	_ =	swait.ge [sflag:s9], $0x80  }
.Ltmp1:
0x23: {  	[sflag:s9] =	ssyncset.done $0x0;
	(pc) =	sbr.rel @p1 .LBB2_4-.Ltmp1, $4  }
0x24: {  	s12 =	sand.u32 $0x3C00, s14;
	[sflag:s9] =	ssyncadd.s32 $0xFFFFFF80  }
0x25: {  	[spmem:s1] =	stream.indirect.scatter.add.f32 [tilespmem:s10], [sflag:$0x1], $0x10, s2, s10, $0xb8;
	[tilespmem:$0x6880] =	vst v63  }
0x26: {  	s13 =	sand.u32 $0x380, s14;
	s12 =	sadd.s32 s5, s12;
	_ =	swait.ge [sflag:s9], $0x800  }
0x27: {  	s13 =	sor.u32 s13, s12;
	s12 =	smov.u32 s15;
	[sflag:s9] =	ssyncset.done $0x0  }
0x28: {  	s12 =	sshrl.u32 s13, $0x3  }
0x29: {  	[sflag:s9] =	ssyncadd.s32 $0xFFFFF800;
	s12 =	sadd.s32 s3, s12  }
0x2a: {  	[tilespmem:s2], [sflag:$0x1] =	stream.linear.gather [hbm4b:s12+s2], $0x80, $0x38;
	[tilespmem:$0x6880] =	vst v63  }
0x2b: {  	_ =	swait.ge [sflag:s9], $0x80  }
0x2c: {  	[sflag:s9] =	ssyncset.done $0x0  }
0x2d: {  	[sflag:s9] =	ssyncadd.s32 $0xFFFFFF80  }
0x2e: {  	[spmem:s1] =	stream.indirect.scatter.add.f32 [tilespmem:s10], [sflag:$0x1], $0x10, s2, s10, $0xb8;
	[tilespmem:$0x6880] =	vst v63  }
0x2f: {  	_ =	swait.ge [sflag:s9], $0x800  }
0x30: {  	[sflag:s9] =	ssyncset.done $0x0  }
0x31: {  	s11 =	sadd.s32 $0x1, s11;
	[sflag:s9] =	ssyncadd.s32 $0xFFFFF800  }
0x32: {  	p1 =	sne.s32 s11, s7;
	s12 =	simm.s32 @!p0 $0x1C01;
	[bflag:$0x0] =	sbarrier.arrive $0xFFFF  }
0x33: {  	[hbm:s6], [sflag:s12] =	dma.local @!p0 [spmem:s8], $0x28000  }
.Ltmp2:
0x34: {  	_ = 	snop;
	(pc) =	sbr.rel @p1 .LBB2_1-.Ltmp2, $4  }
0x35: {  	s12 =	simm.s32 @!p0 $0x1  }
0x36: {  	_ =	swait.ge @!p0 [sflag:s12], $0x28000  }
0x37: {  	[sflag:s12] =	ssyncset.done @!p0 $0x0  }
0x38: {  	[sflag:s12] =	ssyncadd.s32 @!p0 $0xFFFD8000  }
0x39: {  	_ =	sfence.sel $0x180000  }
0x3a: {  	[bflag:$0x0] =	sbarrier.arrive $0xFFFF  }
0x3b: {  	_ =	strace $0x90000047  }
0x3c: {  	s0 =	sadd.s32 @!p0 $0x100000, s0;
	[bflag:$0x2] =	sbarrier.arrive $0xFFFF  }
0x3d: {  	[sflag:s0] =	ssyncadd.tile.s32 @!p0 $0x1;
	_ =	shalt  }
.Lfunc_end2:
_tile_overlayer_lowered:
.L_overlay_start_2:
0x3e: {  	(tag) =	ssettag $0x2  }
0x3f: {  	s0 =	rddreg [dreg:$0x0];
	s2 =	stileid.u32  }
0x40: {  	s1 =	rddreg [dreg:$0x1];
	p0 =	sne.s32 s2, $0x0  }
0x41: {  	s3 =	rddreg [dreg:$0x2];
	[bflag:$0x3] =	sbarrier.arrive $0xFFFF;
	s2 =	simm.s32 @!p0 $0x1C01  }
0x42: {  	[timem:s3], [sflag:s2] =	dma.local @!p0 [hbm:s0], s1  }
0x43: {  	s0 =	simm.s32 @!p0 $0x1  }
0x44: {  	_ =	swait.ge @!p0 [sflag:s0], s1  }
0x45: {  	s1 =	ssub.s32 @!p0 $0x0, s1;
	[sflag:s0] =	ssyncset.done @!p0 $0x0  }
0x46: {  	[sflag:s0] =	ssyncadd.s32 @!p0 s1  }
0x47: {  	[bflag:$0x3] =	sbarrier.arrive $0xFFFF  }
0x48: {  	_ =	shalt  }

// kernel: kernel.9.cloned.1.call-start
scs
__scs_entry_jumppad:
0x0: {  	(pc) =	sbr.rel $0x88, $3  }
0x1: {  	(tag) =	ssettag $0x0;
	lr =	simm.s32 $0x1  }
0x2: {  	[smem:$0x3F9C] =	sst lr;
	_ =	strace $0xD0000000  }
0x3: {  	_ = 	snop  }
0x4: {  	_ = 	snop  }
0x5: {  	_ = 	snop  }
0x6: {  	_ = 	snop  }
0x7: {  	_ = 	snop  }
__scs_overlays_trampoline_lowered:
0x8: {  	[smem:$0x3FAB] =	sst s0  }
0x9: {  	[smem:$0x3FAC] =	sst s1  }
0xa: {  	[smem:$0x3FAD] =	sst s2  }
0xb: {  	[smem:$0x3FAE] =	sst s3  }
0xc: {  	[smem:$0x3FAF] =	sst s4  }
0xd: {  	[smem:$0x3FB0] =	sst s5  }
0xe: {  	[smem:$0x3FB1] =	sst s6  }
0xf: {  	[smem:$0x3FB2] =	sst s7  }
0x10: {  	[smem:$0x3FB3] =	sst s8  }
0x11: {  	[smem:$0x3FB4] =	sst s9;
	s0 =	simm.s32 @!p0 $0x0  }
0x12: {  	s1 =	sld [smem:$0x3F9A];
	s0 =	simm.s32 @p0 $0x1  }
0x13: {  	[smem:$0x3FB5] =	sst s0;
	s0 =	simm.s32 @!p1 $0x0  }
0x14: {  	s2 =	sld [smem:$0x3F99];
	s0 =	simm.s32 @p1 $0x1  }
0x15: {  	[smem:$0x3FB6] =	sst s0;
	s0 =	simm.s32 @!p2 $0x0  }
0x16: {  	s3 =	sld [smem:$0x3FDB];
	s0 =	simm.s32 @p2 $0x1  }
0x17: {  	s4 =	simm.s32 $0x1BF5;
	[smem:$0x3FB8] =	sst s0  }
0x18: {  	s0 =	sld [smem:$0x3F9B];
	_ =	swait.ge [sflag:s4], $0x0  }
0x19: {  	s7 =	sld [smem:$0x3F9C]  }
0x1a: {  	s8 =	sadd.s32 $0xFFFFE003, lr  }
0x1b: {  	s9 =	sadd.s32 $0xFFFFFEF7, lr;
	s5 =	simm.s32 $0xFFFFFFFF;
	p2 =	slt.u32 s8, $0xFFFFF086  }
0x1c: {  	p1 =	slt.u32 s9, $0xF7A;
	s5 =	simm.s32 @!p2 $0x0  }
0x1d: {  	s5 =	simm.s32 @p1 $0x1;
	p0 =	seq.s32 s7, s2  }
0x1e: {  	s7 =	smul.u32 @!p0 $0xF7A, s2;
	p2 =	seq.s32 @!p0 s5, $0x0  }
0x1f: {  	s9 =	smul.u32 $0xF7A, s1;
	s8 =	simm.s32 @!p0 $0x1BF5;
	p2 =	por !p2, p0  }
0x20: {  	[sflag:s8] =	ssyncset.s32 @!p0 $0xFFFFF086;
	s6 =	sadd.s32 @!p0 s3, s7;
	s7 =	simm.s32 @!p0 $0x108  }
0x21: {  	s3 =	sadd.s32 s3, s9;
	s6 =	sadd.s32 @!p0 $0x88, s6;
	s7 =	simm.s32 @p2 $0x1082  }
0x22: {  	[simem:s7], [sflag:s8] =	dma.local @!p0 [hbm:s6], $0xF7A  }
0x23: {  	s9 =	sor.u32 $0xD0000000, s2;
	s6 =	simm.s32 $0x108;
	_ =	swait.ge @!p0 [sflag:s8], $0x0  }
0x24: {  	s3 =	sadd.s32 $0x88, s3;
	s6 =	simm.s32 @!p1 $0x1082;
	[sflag:s4] =	ssyncset.s32 $0xFFFFF086  }
0x25: {  	[simem:s6], [sflag:s4] =	dma.local [hbm:s3], $0xF7A  }
0x26: {  	[smem:$0x3F9C] =	sst s1;
	(tag) =	ssettag s2;
	_ =	strace s9  }
0x27: {  	s1 =	sld [smem:$0x3FAC]  }
0x28: {  	s2 =	sld [smem:$0x3FAD]  }
0x29: {  	s4 =	sld [smem:$0x3FAF]  }
0x2a: {  	p0 =	seq.s32 s5, $0x0;
	s5 =	sld [smem:$0x3FB0]  }
0x2b: {  	s6 =	sld [smem:$0x3FB1]  }
0x2c: {  	s7 =	sld [smem:$0x3FB2]  }
0x2d: {  	s3 =	simm.s32 $0x108;
	s8 =	sld [smem:$0x3FB3]  }
0x2e: {  	s3 =	simm.s32 @!p0 $0x1082;
	s9 =	sld [smem:$0x3FB4]  }
0x2f: {  	lr =	sadd.s32 s0, s3;
	s0 =	sld [smem:$0x3FAB]  }
0x30: {  	s3 =	sld [smem:$0x3FAE]  }
0x31: {  	[smem:$0x3FB7] =	sst s10  }
0x32: {  	s10 =	sld [smem:$0x3FB5];
	_ =	sdelay $0x3  }
0x33: {  	p0 =	seq.s32 s10, $0x1;
	s10 =	sld [smem:$0x3FB7];
	_ =	sdelay $0x3  }
0x34: {  	[smem:$0x3FB7] =	sst s10  }
0x35: {  	s10 =	sld [smem:$0x3FB6];
	_ =	sdelay $0x3  }
0x36: {  	p1 =	seq.s32 s10, $0x1;
	s10 =	sld [smem:$0x3FB7];
	_ =	sdelay $0x3  }
0x37: {  	[smem:$0x3FB7] =	sst s10  }
0x38: {  	s10 =	sld [smem:$0x3FB8]  }
0x39: {  	_ = 	snop;
	(pc) =	sbr.ind lr, $3  }
0x3a: {  	_ = 	snop  }
0x3b: {  	_ = 	snop  }
0x3c: {  	p2 =	seq.s32 s10, $0x1;
	s10 =	sld [smem:$0x3FB7]  }
0x3d: {  	_ =	shalt  }
0x3e: {  	_ =	shalt  }
0x3f: {  	_ =	shalt  }
0x40: {  	_ =	shalt  }
0x41: {  	_ =	shalt  }
0x42: {  	_ =	shalt  }
0x43: {  	_ =	shalt  }
0x44: {  	_ =	shalt  }
0x45: {  	_ =	shalt  }
0x46: {  	_ =	shalt  }
0x47: {  	_ =	shalt  }
0x48: {  	_ =	shalt  }
0x49: {  	_ =	shalt  }
0x4a: {  	_ =	shalt  }
0x4b: {  	_ =	shalt  }
0x4c: {  	_ =	shalt  }
0x4d: {  	_ =	shalt  }
0x4e: {  	_ =	shalt  }
0x4f: {  	_ =	shalt  }
0x50: {  	_ =	shalt  }
0x51: {  	_ =	shalt  }
0x52: {  	_ =	shalt  }
0x53: {  	_ =	shalt  }
0x54: {  	_ =	shalt  }
0x55: {  	_ =	shalt  }
0x56: {  	_ =	shalt  }
0x57: {  	_ =	shalt  }
0x58: {  	_ =	shalt  }
0x59: {  	_ =	shalt  }
0x5a: {  	_ =	shalt  }
0x5b: {  	_ =	shalt  }
0x5c: {  	_ =	shalt  }
0x5d: {  	_ =	shalt  }
0x5e: {  	_ =	shalt  }
0x5f: {  	_ =	shalt  }
0x60: {  	_ =	shalt  }
0x61: {  	_ =	shalt  }
0x62: {  	_ =	shalt  }
0x63: {  	_ =	shalt  }
0x64: {  	_ =	shalt  }
0x65: {  	_ =	shalt  }
0x66: {  	_ =	shalt  }
0x67: {  	_ =	shalt  }
0x68: {  	_ =	shalt  }
0x69: {  	_ =	shalt  }
0x6a: {  	_ =	shalt  }
0x6b: {  	_ =	shalt  }
0x6c: {  	_ =	shalt  }
0x6d: {  	_ =	shalt  }
0x6e: {  	_ =	shalt  }
0x6f: {  	_ =	shalt  }
0x70: {  	_ =	shalt  }
0x71: {  	_ =	shalt  }
0x72: {  	_ =	shalt  }
0x73: {  	_ =	shalt  }
0x74: {  	_ =	shalt  }
0x75: {  	_ =	shalt  }
0x76: {  	_ =	shalt  }
0x77: {  	_ =	shalt  }
0x78: {  	_ =	shalt  }
0x79: {  	_ =	shalt  }
0x7a: {  	_ =	shalt  }
0x7b: {  	_ =	shalt  }
0x7c: {  	_ =	shalt  }
0x7d: {  	_ =	shalt  }
0x7e: {  	_ =	shalt  }
0x7f: {  	_ =	shalt  }
0x80: {  	_ =	shalt  }
0x81: {  	_ =	shalt  }
0x82: {  	_ =	shalt  }
0x83: {  	_ =	shalt  }
0x84: {  	_ =	shalt  }
0x85: {  	_ =	shalt  }
0x86: {  	_ =	shalt  }
0x87: {  	_ =	shalt  }
.Lfunc_end0:
.L_simem_size_0:
called_computation.1_lowered:
.L_overlay_start_0:
0x88: {  	s2 =	sld [smem:$0x3FD9]  }
0x89: {  	s3 =	sld [smem:$0x3FFE];
	_ =	sdelay $0x1  }
0x8a: {  	s1 =	srdreg.scid  }
0x8b: {  	s0 =	sand.u32 $0x1, s1  }
0x8c: {  	s16 =	sshll.u32 s0, $0xA;
	s2 =	sadd.s32 s3, s2  }
0x8d: {  	s2 =	sadd.s32 s2, s16  }
0x8e: {  	[smem:$0x3FC3] =	sst s2  }
0x8f: {  	_ = 	snop  }
0x90: {  	(tm) =	ssettm $0x1  }
0x91: {  	s17 =	sld [smem:$0x3FFB];
	_ =	sdelay $0x3  }
0x92: {  	_ =	strace s17  }
0x93: {  	s2 =	sld [smem:$0x3FFC];
	_ =	sdelay $0x3  }
0x94: {  	_ =	strace s2  }
0x95: {  	s2 =	sld [smem:$0x3FFD];
	_ =	sdelay $0x3  }
0x96: {  	_ =	strace s2  }
0x97: {  	_ =	strace $0x8FFFFFFF  }
0x98: {  	s18 =	sld [smem:$0x3FDB];
	_ =	sdelay $0x1  }
0x99: {  	s19 =	simm.s32 $_scs_section_size  }
0x9a: {  	s4 =	simm.s32 $_size__tile_overlayer_lowered;
	s5 =	simm.s32 $_tile_overlayer_lowered  }
0x9b: {  	s22 =	simm.s32 $0x1BFF;
	s21 =	sshll.u32 s5, $0x1;
	s2 =	sadd.s32 s19, s18  }
0x9c: {  	s6 =	simm.s32 $0x0;
	s20 =	sshll.u32 s4, $0x1;
	s4 =	sadd.s32 s21, s2  }
0x9d: {  	[timem:s6], [sflag:s22] =	dma.local [hbm:s4], s20  }
0x9e: {  	_ =	swait.ge [sflag:s22], s20  }
0x9f: {  	s3 =	ssub.s32 $0x0, s20;
	[sflag:s22] =	ssyncset.done $0x0  }
0xa0: {  	[sflag:s22] =	ssyncadd.s32 s3;
	_ =	sdelay $0x1  }
0xa1: {  	s23 =	simm.s32 $0x1B8B  }
0xa2: {  	_ =	swait.ge [sflag:s23], $0x1  }
0xa3: {  	[sflag:s23] =	ssyncset.done $0x0  }
0xa4: {  	s25 =	simm.s32 $0x1B8E;
	s24 =	sld [smem:$0x3FFE];
	[sflag:s23] =	ssyncadd.s32 $0xFFFFFFFF  }
0xa5: {  	s26 =	simm.s32 $execute0_lowered;
	[smem:$0x3FD2] =	sst s25  }
0xa6: {  	s4 =	sshll.u32 s26, $0x1;
	_ =	strace $0x80000049;
	[dreg:$0x1] =	wrdreg $0xFFFFFFFF  }
0xa7: {  	s28 =	simm.s32 $_size_execute0_lowered;
	s2 =	sadd.s32 s2, s4;
	[dreg:$0x0] =	wrdreg $0x0  }
0xa8: {  	s4 =	sshll.u32 s28, $0x1;
	[dreg:$0x2] =	wrdreg s2  }
0xa9: {  	[dreg:$0x3] =	wrdreg s4  }
0xaa: {  	[dreg:$0x4] =	wrdreg $0xC0  }
0xab: {  	_ =	task [dreg:s6], $0x5FFFF  }
0xac: {  	[dreg:$0x1] =	wrdreg $0xFFFFFFFF  }
0xad: {  	[dreg:$0x0] =	wrdreg $0x60  }
0xae: {  	[dreg:$0x2] =	wrdreg s24  }
0xaf: {  	[dreg:$0x3] =	wrdreg $0x41000  }
0xb0: {  	[dreg:$0x4] =	wrdreg $0x9  }
0xb1: {  	_ =	task.clear_ibuf [dreg:s6], $0x5FFFF;
	_ =	strace $0x90000049  }
0xb2: {  	s29 =	simm.s32 $0x9;
	_ =	strace $0x8000004B  }
0xb3: {  	_ =	swait.ge [sflag:s29], $0x1  }
0xb4: {  	[sflag:s29] =	ssyncadd.s32 $0xFFFFFFFF  }
0xb5: {  	_ =	strace $0x9000004B  }
0xb6: {  	_ =	sfence  }
0xb7: {  	s30 =	sld [smem:$0x0];
	_ =	sdelay $0x2  }
0xb8: {  	s31 =	sshll.u32 s1, $0xD;
	s1 =	sshrl.u32 s1, $0x2  }
0xb9: {  	s3 =	sand.u32 $0x4000, s31;
	s1 =	sadd.s32 s1, s30  }
0xba: {  	s0 =	sor.u32 s3, s0;
	s1 =	sshll.u32 s1, $0x11  }
0xbb: {  	s0 =	sor.u32 s1, s0  }
0xbc: {  	s0 =	sadd.s32 $0x8F2B, s0  }
0xbd: {  	[sflag:s0] =	ssyncadd.remote.s32 $0x1  }
0xbe: {  	_ =	sfence.sel $0xFFFF  }
0xbf: {  	[dreg:$0x0] =	wrdreg $0xFFFFFFFF;
	(pc) =	sbr.abs _section_cstart, $3  }
0xc0: {  	[dreg:$0x1] =	wrdreg $0xFFFFFFFF  }
0xc1: {  	_ =	task.clear_ibuf [dreg:s6], $0x2FFFF;
	_ =	strace $0x9FFFFFFF  }
0xc2: {  	(tm) =	ssettm $0x7FFFFFFF  }
0xc3: {  	_ =	shalt  }
tec
execute0_lowered:
.L_overlay_start_1:
0x0: {  	(tag) =	ssettag $0x1  }
0x1: {  	s7 =	rddreg [dreg:$0x0]  }
0x2: {  	s1 =	rddreg [dreg:$0x1]  }
0x3: {  	s0 =	rddreg [dreg:$0x2]  }
0x4: {  	s2 =	simm.s32 $0x0;
	s4 =	srdreg.scid;
	s10 =	stileid.u32  }
0x5: {  	s13 =	simm.s32 $0x100;
	s14 =	simm.s32 $0x1;
	s15 =	simm.s32 $0x0  }
0x6: {  	[smem:$0x7FF] =	sst s2;
	s3 =	sadd.s32 $0x83600, s7;
	s6 =	sand.u32 $0x1, s4  }
0x7: {  	s4 =	sadd.s32 $0x1600, s7;
	s5 =	sadd.s32 $0xB600, s7;
	p0 =	sne.s32 s10, $0x0  }
0x8: {  	_ =	strace $0x8000004A;
	s8 =	smul.u32 $0x28000, s6;
	s9 =	ssub.s32 $0x2, s6  }
0x9: {  	s11 =	sshll.u32 s6, $0x4;
	s6 =	sadd.s32 $0x8D600, s7;
	s12 =	sshrl.u32 s9, $0x1  }
0xa: {  	s11 =	sor.u32 s10, s11;
	s10 =	sshrl.u32 @!p0 s1, $0x3;
	s8 =	sadd.s32 s8, s7  }
0xb: {  	s9 =	ssub.s32 s9, s12;
	s7 =	smul.u32 $0x2800, s11;
	s11 =	simm.s32 $0x2  }
0xc: {  	s12 =	simm.s32 $0x80;
	s8 =	sadd.s32 $0xB5600, s8;
	s9 =	smax.u32 s9, $0x1  }
.LBB2_1:
0xd: {  	s16 =	simm.s32 @!p0 $0x1C02  }
0xe: {  	[spmem:s10], [sflag:s16] =	dma.local @!p0 [hbm:s6], $0x28000  }
0xf: {  	s17 =	sand.u32 $0x3C00, s2;
	s16 =	simm.s32 @!p0 $0x2  }
0x10: {  	s18 =	sand.u32 $0x380, s2;
	s17 =	sadd.s32 s7, s17;
	_ =	swait.ge @!p0 [sflag:s16], $0x28000  }
0x11: {  	s17 =	sor.u32 s18, s17;
	[sflag:s16] =	ssyncset.done @!p0 $0x0  }
0x12: {  	s28 =	sshrl.u32 s17, $0x3;
	[sflag:s16] =	ssyncadd.s32 @!p0 $0xFFFD8000  }
0x13: {  	s17 =	sadd.s32 s3, s28;
	[bflag:$0x0] =	sbarrier.arrive $0xFFFF  }
0x14: {  	[tilespmem:s2], [sflag:$0x2] =	stream.linear.gather [hbm4b:s17+s2], $0x80, $0x38;
	[tilespmem:$0x18100] =	vst v63  }
0x15: {  	_ =	swait.ge [sflag:s11], $0x80  }
0x16: {  	[sflag:s11] =	ssyncset.done $0x0  }
0x17: {  	s16 =	sadd.s32 s4, s28;
	[sflag:s11] =	ssyncadd.s32 $0xFFFFFF80  }
0x18: {  	[tilespmem:s12], [sflag:$0x2] =	stream.linear.gather [hbm4b:s16+s2], $0x80, $0x38;
	[tilespmem:$0x18100] =	vst v63  }
0x19: {  	_ =	swait.ge [sflag:s11], $0x80  }
0x1a: {  	[sflag:s11] =	ssyncset.done $0x0  }
0x1b: {  	[sflag:s11] =	ssyncadd.s32 $0xFFFFFF80  }
0x1c: {  	[tilespmem:s13], [sflag:$0x1] =	stream.indirect.gather [hbm4b:s5+s12], $0x80, s2, s12, $0xb8;
	[tilespmem:$0x18100] =	vst v63  }
0x1d: {  	_ =	swait.ge [sflag:s14], $0x4000  }
0x1e: {  	s29 =	simm.s32 $0x80;
	[sflag:s14] =	ssyncset.done $0x0  }
0x1f: {  	s30 =	sand.u32 $0x3C00, s29;
	[sflag:s14] =	ssyncadd.s32 $0xFFFFC000  }
0x20: {  	[spmem:s1] =	stream.indirect.scatter.add.f32 [tilespmem:s13], [sflag:$0x2], $0x80, s12, s12, $0xb8;
	[tilespmem:$0x18100] =	vst v63  }
0x21: {  	s31 =	sand.u32 $0x380, s29;
	s17 =	sadd.s32 s7, s30;
	_ =	swait.ge [sflag:s11], $0x4000  }
0x22: {  	s17 =	sor.u32 s31, s17;
	s16 =	simm.s32 $0x100;
	[sflag:s11] =	ssyncset.done $0x0  }
.LBB2_2:
0x23: {  	s17 =	sshrl.u32 s17, $0x3  }
0x24: {  	[sflag:s11] =	ssyncadd.s32 $0xFFFFC000;
	s18 =	smov.u32 s16;
	s19 =	sadd.s32 $0x80, s16  }
0x25: {  	p1 =	sne.s32 s16, $0x2700;
	s16 =	sadd.s32 s3, s17  }
0x26: {  	[tilespmem:s2], [sflag:$0x2] =	stream.linear.gather [hbm4b:s16+s2], $0x80, $0x38;
	[tilespmem:$0x18100] =	vst v63  }
0x27: {  	_ =	swait.ge [sflag:s11], $0x80  }
0x28: {  	[sflag:s11] =	ssyncset.done $0x0  }
0x29: {  	s16 =	sadd.s32 s4, s17;
	[sflag:s11] =	ssyncadd.s32 $0xFFFFFF80  }
0x2a: {  	[tilespmem:s12], [sflag:$0x2] =	stream.linear.gather [hbm4b:s16+s2], $0x80, $0x38;
	[tilespmem:$0x18100] =	vst v63  }
0x2b: {  	_ =	swait.ge [sflag:s11], $0x80  }
0x2c: {  	[sflag:s11] =	ssyncset.done $0x0  }
0x2d: {  	[sflag:s11] =	ssyncadd.s32 $0xFFFFFF80  }
0x2e: {  	[tilespmem:s13], [sflag:$0x1] =	stream.indirect.gather [hbm4b:s5+s12], $0x80, s2, s12, $0xb8;
	[tilespmem:$0x18100] =	vst v63  }
0x2f: {  	_ =	swait.ge [sflag:s14], $0x4000  }
.Ltmp0:
0x30: {  	[sflag:s14] =	ssyncset.done $0x0;
	(pc) =	sbr.rel @p1 .LBB2_2-.Ltmp0, $4  }
0x31: {  	s16 =	sand.u32 $0x3C00, s18;
	[sflag:s14] =	ssyncadd.s32 $0xFFFFC000  }
0x32: {  	[spmem:s1] =	stream.indirect.scatter.add.f32 [tilespmem:s13], [sflag:$0x2], $0x80, s12, s12, $0xb8;
	[tilespmem:$0x18100] =	vst v63  }
0x33: {  	s17 =	sand.u32 $0x380, s18;
	s16 =	sadd.s32 s7, s16;
	_ =	swait.ge [sflag:s11], $0x4000  }
0x34: {  	s17 =	sor.u32 s17, s16;
	s16 =	smov.u32 s19;
	[sflag:s11] =	ssyncset.done $0x0  }
0x35: {  	s16 =	sshrl.u32 s17, $0x3  }
0x36: {  	[sflag:s11] =	ssyncadd.s32 $0xFFFFC000;
	s17 =	sadd.s32 s3, s16  }
0x37: {  	[tilespmem:s2], [sflag:$0x2] =	stream.linear.gather [hbm4b:s17+s2], $0x80, $0x38;
	[tilespmem:$0x18100] =	vst v63  }
0x38: {  	_ =	swait.ge [sflag:s11], $0x80  }
0x39: {  	[sflag:s11] =	ssyncset.done $0x0  }
0x3a: {  	s16 =	sadd.s32 s4, s16;
	[sflag:s11] =	ssyncadd.s32 $0xFFFFFF80  }
0x3b: {  	[tilespmem:s12], [sflag:$0x2] =	stream.linear.gather [hbm4b:s16+s2], $0x80, $0x38;
	[tilespmem:$0x18100] =	vst v63  }
0x3c: {  	_ =	swait.ge [sflag:s11], $0x80  }
0x3d: {  	[sflag:s11] =	ssyncset.done $0x0  }
0x3e: {  	[sflag:s11] =	ssyncadd.s32 $0xFFFFFF80  }
0x3f: {  	[tilespmem:s13], [sflag:$0x1] =	stream.indirect.gather [hbm4b:s5+s12], $0x80, s2, s12, $0xb8;
	[tilespmem:$0x18100] =	vst v63  }
0x40: {  	_ =	swait.ge [sflag:s14], $0x4000  }
0x41: {  	[sflag:s14] =	ssyncset.done $0x0  }
0x42: {  	[sflag:s14] =	ssyncadd.s32 $0xFFFFC000  }
0x43: {  	[spmem:s1] =	stream.indirect.scatter.add.f32 [tilespmem:s13], [sflag:$0x2], $0x80, s12, s12, $0xb8;
	[tilespmem:$0x18100] =	vst v63  }
0x44: {  	_ =	swait.ge [sflag:s11], $0x4000  }
0x45: {  	[sflag:s11] =	ssyncset.done $0x0  }
0x46: {  	s15 =	sadd.s32 $0x1, s15;
	[sflag:s11] =	ssyncadd.s32 $0xFFFFC000  }
0x47: {  	p1 =	sne.s32 s15, s9;
	s16 =	simm.s32 @!p0 $0x1C02;
	[bflag:$0x0] =	sbarrier.arrive $0xFFFF  }
0x48: {  	[hbm:s8], [sflag:s16] =	dma.local @!p0 [spmem:s10], $0x28000  }
.Ltmp1:
0x49: {  	_ = 	snop;
	(pc) =	sbr.rel @p1 .LBB2_1-.Ltmp1, $4  }
0x4a: {  	s16 =	simm.s32 @!p0 $0x2  }
0x4b: {  	_ =	swait.ge @!p0 [sflag:s16], $0x28000  }
0x4c: {  	[sflag:s16] =	ssyncset.done @!p0 $0x0  }
0x4d: {  	[sflag:s16] =	ssyncadd.s32 @!p0 $0xFFFD8000  }
0x4e: {  	_ =	sfence.sel $0x180000  }
0x4f: {  	[bflag:$0x0] =	sbarrier.arrive $0xFFFF  }
0x50: {  	_ =	strace $0x9000004A  }
0x51: {  	s0 =	sadd.s32 @!p0 $0x100000, s0;
	[bflag:$0x2] =	sbarrier.arrive $0xFFFF  }
0x52: {  	[sflag:s0] =	ssyncadd.tile.s32 @!p0 $0x1;
	_ =	shalt  }
.Lfunc_end2:
_tile_overlayer_lowered:
.L_overlay_start_2:
0x53: {  	(tag) =	ssettag $0x2  }
0x54: {  	s0 =	rddreg [dreg:$0x0];
	s2 =	stileid.u32  }
0x55: {  	s1 =	rddreg [dreg:$0x1];
	p0 =	sne.s32 s2, $0x0  }
0x56: {  	s3 =	rddreg [dreg:$0x2];
	[bflag:$0x3] =	sbarrier.arrive $0xFFFF;
	s2 =	simm.s32 @!p0 $0x1C02  }
0x57: {  	[timem:s3], [sflag:s2] =	dma.local @!p0 [hbm:s0], s1  }
0x58: {  	s0 =	simm.s32 @!p0 $0x2  }
0x59: {  	_ =	swait.ge @!p0 [sflag:s0], s1  }
0x5a: {  	s1 =	ssub.s32 @!p0 $0x0, s1;
	[sflag:s0] =	ssyncset.done @!p0 $0x0  }
0x5b: {  	[sflag:s0] =	ssyncadd.s32 @!p0 s1  }
0x5c: {  	[bflag:$0x3] =	sbarrier.arrive $0xFFFF  }
0x5d: {  	_ =	shalt  }

</sc_bundles>
